<compile_context>
chip_gen: v7x
topology: tpu7x:2x2x1
jax: 0.10.2.dev20260603
libtpu: 0.0.44.dev20260713+nightly
codegen_flags: <defaults>
</compile_context>

<pallas_src>
import functools

import jax
import jax.numpy as jnp
from jax import lax
from jax.experimental import pallas as pl
from jax.experimental.pallas import tpu as pltpu
from jax.experimental.pallas import tpu_sc as plsc

_VOCAB = 100000
_N = 4096
_K = 25
_KP = 32
_DX = 64
_DY = 64
_LO = -4.0
_HI = 4.0
_STEP = (_HI - _LO) / (_DX - 1)

_NB = 8
_CW = _NB * _KP
_RW = _NB * _DX


_GP = 8


def _field_body(mux_ref, muy_ref, w_ref, out_ref):
    gx = lax.broadcasted_iota(jnp.int32, (_DX, 1), 0).astype(jnp.float32) * _STEP + _LO
    c_i = lax.broadcasted_iota(jnp.int32, (1, _CW), 1)
    kmask = (c_i % _KP) < _K
    for g in range(_GP):
        mux = mux_ref[g]
        muy = muy_ref[g]
        wv = jnp.where(kmask, w_ref[g], 0.0)
        ax = jnp.exp(-0.5 * (gx - mux) ** 2).astype(jnp.bfloat16)
        bt = (jnp.exp(-0.5 * (gx - muy) ** 2) * wv).astype(jnp.bfloat16)
        for n in range(_NB):
            a_n = lax.slice(ax, (0, n * _KP), (_DX, (n + 1) * _KP))
            b_n = lax.slice(bt, (0, n * _KP), (_DX, (n + 1) * _KP))
            out_ref[pl.ds((g * _NB + n) * _DX, _DX), :] = lax.dot_general(
                a_n, b_n, (((1,), (1,)), ((), ())),
                preferred_element_type=jnp.float32)


def _field(mux_p, muy_p, w_p, interpret=False):
    grid = _N // (_NB * _GP)
    return pl.pallas_call(
        _field_body,
        grid=(grid,),
        in_specs=[
            pl.BlockSpec((_GP, 1, _CW), lambda i: (i, 0, 0)),
            pl.BlockSpec((_GP, 1, _CW), lambda i: (i, 0, 0)),
            pl.BlockSpec((_GP, 1, _CW), lambda i: (i, 0, 0)),
        ],
        out_specs=pl.BlockSpec((_GP * _RW, _DY), lambda i: (i, 0)),
        out_shape=jax.ShapeDtypeStruct((_N * _DX, _DY), jnp.float32),
        interpret=interpret,
    )(mux_p, muy_p, w_p)



_TPW = _N // 32


def _sc_gather(ranks, tx, ty, wf):
    mesh = plsc.VectorSubcoreMesh(core_axis_name="c", subcore_axis_name="s")

    nch = _TPW * _KP // 128

    @functools.partial(
        pl.kernel,
        mesh=mesh,
        out_type=[jax.ShapeDtypeStruct((_N * _KP // 128, 128), jnp.float32)] * 3,
        scratch_types=[
            pltpu.VMEM((nch, 128), jnp.int32),
            pltpu.VMEM((nch, 128), jnp.float32),
            pltpu.VMEM((nch, 128), jnp.float32),
            pltpu.VMEM((nch, 128), jnp.float32),
            pltpu.SemaphoreType.DMA,
            pltpu.SemaphoreType.DMA,
            pltpu.SemaphoreType.DMA,
        ],
    )
    def k(idx_h, tx_h, ty_h, w_h, mux_h, muy_h, wp_h,
          idx_v, dmux, dmuy, dw, sem1, sem2, sem3):
        wid = lax.axis_index("s") * 2 + lax.axis_index("c")
        row0 = wid * nch
        pltpu.sync_copy(idx_h.at[pl.ds(row0, nch)], idx_v)

        def body(i, carry):
            pltpu.async_copy(tx_h.at[idx_v.at[i]], dmux.at[i], sem1)
            pltpu.async_copy(ty_h.at[idx_v.at[i]], dmuy.at[i], sem2)
            pltpu.async_copy(w_h.at[idx_v.at[i]], dw.at[i], sem3)
            return carry

        lax.fori_loop(0, nch, body, 0)
        pltpu.make_async_copy(mux_h.at[pl.ds(row0, nch)], dmux, sem1).wait()
        pltpu.make_async_copy(muy_h.at[pl.ds(row0, nch)], dmuy, sem2).wait()
        pltpu.make_async_copy(wp_h.at[pl.ds(row0, nch)], dw, sem3).wait()
        pltpu.sync_copy(dmux, mux_h.at[pl.ds(row0, nch)])
        pltpu.sync_copy(dmuy, muy_h.at[pl.ds(row0, nch)])
        pltpu.sync_copy(dw, wp_h.at[pl.ds(row0, nch)])

    kp_col = jnp.minimum(jnp.arange(_KP, dtype=jnp.int32), _K - 1)
    rb = ranks.astype(jnp.int32)[:, None]
    idx_a = (rb * _K + kp_col).reshape(_N * _KP // 128, 128)
    return k(idx_a, tx, ty, wf)


def kernel(ranks, mu, w):
    tx = mu[:, :, 0].reshape(_VOCAB * _K)
    ty = mu[:, :, 1].reshape(_VOCAB * _K)
    wf = w.reshape(_VOCAB * _K)
    mux_p, muy_p, w_p = _sc_gather(ranks, tx, ty, wf)

    g = _N // _NB
    out = _field(
        mux_p.reshape(g, 1, _CW),
        muy_p.reshape(g, 1, _CW),
        w_p.reshape(g, 1, _CW),
    )
    return out.reshape(_N, _DX * _DY)

# --- scband reference (transcript-rebuilt; emitter-appended) ---
"""Pipeline reference for scband-pfireword-83811991814160 (READ-ONLY COPY).

The authoritative reference and input builder live on the scoring server;
editing this copy changes nothing except your own understanding.
"""

import jax, jax.numpy as jnp
import numpy as np

VOCAB = 100000
N = 4096
K = 25
DIMX = 64
DIMY = 64
LIM_LO = -4.0
LIM_HI = 4.0
SIGMA = 1.0


def _grid_points():
    # torch.meshgrid(linspace, linspace) default is 'ij' indexing
    gx = jnp.linspace(LIM_LO, LIM_HI, DIMX)
    gy = jnp.linspace(LIM_LO, LIM_HI, DIMY)
    mx, my = jnp.meshgrid(gx, gy, indexing='ij')
    return jnp.stack([mx.reshape(-1), my.reshape(-1)], axis=-1)  # (G, 2)


def setup_inputs(seed: int = 0) -> dict:
    key = jax.random.key(seed)
    k1, k2, k3 = jax.random.split(key, 3)
    ranks = jax.random.randint(k1, (N,), 0, VOCAB)
    # Stacked per-word function parameters (StackingSlicing restacked to vocab_size):
    # DiracMixture-style functional with K components in 2D -> positions + weights.
    mu = jax.random.normal(k2, (VOCAB, K, 2), dtype=jnp.float32) * 2.0
    w = jax.random.normal(k3, (VOCAB, K), dtype=jnp.float32) * 0.1
    return {'ranks': ranks, 'mu': mu, 'w': w}


def reference(ranks, mu, w):
    # forward(ranks): slice per-word functionals -> gather of stacked params
    mu_s = jnp.take(mu, ranks, axis=0)  # (N, K, 2)
    w_s = jnp.take(w, ranks, axis=0)    # (N, K)
    # grids_byid: measure_on_grid + measure.integral(func, cross=True)
    pts = _grid_points()                # (G, 2)

    def field(args):
        mu_i, w_i = args  # (K, 2), (K,)
        d2 = jnp.sum((pts[:, None, :] - mu_i[None, :, :]) ** 2, axis=-1)  # (G, K)
        return jnp.sum(w_i[None, :] * jnp.exp(-d2 / (2.0 * SIGMA * SIGMA)), axis=-1)  # (G,)

    grid = jax.lax.map(field, (mu_s, w_s))  # (N, G)
    return grid

if __name__ == "__main__":
    import jax
    _d = setup_inputs()
    print(jax.jit(kernel)(*tuple(_d.values())))

</pallas_src>

<mosaic_0001>
#map = affine_map<(d0, d1) -> (0, 0)>
#map1 = affine_map<(d0, d1) -> (0)>
module attributes {stable_mosaic.version = 14 : i64} {
  func.func @k(%arg0: i32, %arg1: i32, %arg2: memref<1024x128xi32, #tpu.memory_space<hbm>>, %arg3: memref<2500000xf32, #tpu.memory_space<hbm>>, %arg4: memref<2500000xf32, #tpu.memory_space<hbm>>, %arg5: memref<2500000xf32, #tpu.memory_space<hbm>>, %arg6: memref<1024x128xf32, #tpu.memory_space<hbm>>, %arg7: memref<1024x128xf32, #tpu.memory_space<hbm>>, %arg8: memref<1024x128xf32, #tpu.memory_space<hbm>>, %arg9: memref<32x128xi32, #tpu.memory_space<vmem>>, %arg10: memref<32x128xf32, #tpu.memory_space<vmem>>, %arg11: memref<32x128xf32, #tpu.memory_space<vmem>>, %arg12: memref<32x128xf32, #tpu.memory_space<vmem>>, %arg13: memref<!tpu.dma_semaphore, #tpu.memory_space<semaphore_mem>>, %arg14: memref<!tpu.dma_semaphore, #tpu.memory_space<semaphore_mem>>, %arg15: memref<!tpu.dma_semaphore, #tpu.memory_space<semaphore_mem>>) attributes {dimension_semantics = [#tpu.dimension_semantics<core_parallel>, #tpu.dimension_semantics<subcore_parallel>], iteration_bounds = array<i64: 2, 16>, scalar_prefetch = 0 : i64, scratch_operands = 7 : i64, tpu.core_type = #tpu.core_type<sc_vector_subcore>, window_params = [{transform_indices = #map}, {transform_indices = #map1}, {transform_indices = #map1}, {transform_indices = #map1}, {transform_indices = #map}, {transform_indices = #map}, {transform_indices = #map}]} {
    %mul3A = arith.constant 2 : i32
    %mul3A_0 = arith.muli %arg1, %mul3A : i32
    %add3A = arith.addi %mul3A_0, %arg0 : i32
    %mul3A_1 = arith.constant 32 : i32
    %mul3A_2 = arith.muli %add3A, %mul3A_1 : i32
    "tpu.region"() ({
      %run_scoped3A = tpu.sem_alloc : memref<!tpu.dma_semaphore, #tpu.memory_space<semaphore_mem>>
      %dma_start3A = arith.constant 0 : i32
      %dma_start3A_19 = tpu.memref_slice %arg2[%mul3A_2, %dma_start3A] : memref<1024x128xi32, #tpu.memory_space<hbm>> -> memref<32x128xi32, #tpu.memory_space<hbm>>
      %dma_start3A_20 = arith.constant 0 : i32
      %dma_start3A_21 = tpu.memref_slice %arg2[%mul3A_2, %dma_start3A_20] : memref<1024x128xi32, #tpu.memory_space<hbm>> -> memref<32x128xi32, #tpu.memory_space<hbm>>
      tpu.enqueue_dma source(%dma_start3A_21 : memref<32x128xi32, #tpu.memory_space<hbm>>) target(%arg9 : memref<32x128xi32, #tpu.memory_space<vmem>>) target_semaphore(%run_scoped3A : memref<!tpu.dma_semaphore, #tpu.memory_space<semaphore_mem>>)
      %dma_wait3A_22 = arith.constant 0 : i32
      %dma_wait3A_23 = tpu.memref_slice %arg2[%mul3A_2, %dma_wait3A_22] : memref<1024x128xi32, #tpu.memory_space<hbm>> -> memref<32x128xi32, #tpu.memory_space<hbm>>
      %dma_wait3A_24 = arith.constant 0 : i32
      %dma_wait3A_25 = tpu.memref_slice %arg2[%mul3A_2, %dma_wait3A_24] : memref<1024x128xi32, #tpu.memory_space<hbm>> -> memref<32x128xi32, #tpu.memory_space<hbm>>
      tpu.wait_dma2 semaphore(%run_scoped3A : memref<!tpu.dma_semaphore, #tpu.memory_space<semaphore_mem>>) src(%dma_wait3A_25 : memref<32x128xi32, #tpu.memory_space<hbm>>) dst(%arg9 : memref<32x128xi32, #tpu.memory_space<vmem>>)
      tpu.yield
    }) : () -> ()
    %scan3A = arith.constant 0 : i32
    %scan3A_3 = arith.constant 0 : i32
    %scan3A_4 = arith.constant 32 : i32
    %scan3A_5 = arith.addi %scan3A_3, %scan3A_4 : i32
    %scan3A_6 = arith.constant 1 : i32
    scf.for %scan3A_19 = %scan3A_3 to %scan3A_5 step %scan3A_6  : i32 {
      %dma_start3A = arith.constant 0 : i32
      %dma_start3A_20 = tpu.memref_slice %arg10[%scan3A_19, %dma_start3A] : memref<32x128xf32, #tpu.memory_space<vmem>> -> memref<1x128xf32, #tpu.memory_space<vmem>>
      %dma_start3A_21 = tpu.memref_squeeze %dma_start3A_20 : memref<1x128xf32, #tpu.memory_space<vmem>> -> memref<128xf32, #tpu.memory_space<vmem>>
      %dma_start3A_22 = arith.constant 0 : i32
      %dma_start3A_23 = tpu.memref_slice %arg9[%scan3A_19, %dma_start3A_22] : memref<32x128xi32, #tpu.memory_space<vmem>> -> memref<1x128xi32, #tpu.memory_space<vmem>>
      %dma_start3A_24 = tpu.memref_squeeze %dma_start3A_23 : memref<1x128xi32, #tpu.memory_space<vmem>> -> memref<128xi32, #tpu.memory_space<vmem>>
      %dma_start3A_25 = arith.constant 0 : i32
      %dma_start3A_26 = tpu.memref_slice %arg3[%dma_start3A_25] : memref<2500000xf32, #tpu.memory_space<hbm>> -> memref<2500000xf32, #tpu.memory_space<hbm>>
      tpu.enqueue_indirect_dma source(%dma_start3A_26 : memref<2500000xf32, #tpu.memory_space<hbm>>) target(%dma_start3A_21 : memref<128xf32, #tpu.memory_space<vmem>>) offsets(%dma_start3A_24 : memref<128xi32, #tpu.memory_space<vmem>>) semaphore(%arg13 : memref<!tpu.dma_semaphore, #tpu.memory_space<semaphore_mem>>)
      %dma_start3A_27 = arith.constant 0 : i32
      %dma_start3A_28 = tpu.memref_slice %arg11[%scan3A_19, %dma_start3A_27] : memref<32x128xf32, #tpu.memory_space<vmem>> -> memref<1x128xf32, #tpu.memory_space<vmem>>
      %dma_start3A_29 = tpu.memref_squeeze %dma_start3A_28 : memref<1x128xf32, #tpu.memory_space<vmem>> -> memref<128xf32, #tpu.memory_space<vmem>>
      %dma_start3A_30 = arith.constant 0 : i32
      %dma_start3A_31 = tpu.memref_slice %arg9[%scan3A_19, %dma_start3A_30] : memref<32x128xi32, #tpu.memory_space<vmem>> -> memref<1x128xi32, #tpu.memory_space<vmem>>
      %dma_start3A_32 = tpu.memref_squeeze %dma_start3A_31 : memref<1x128xi32, #tpu.memory_space<vmem>> -> memref<128xi32, #tpu.memory_space<vmem>>
      %dma_start3A_33 = arith.constant 0 : i32
      %dma_start3A_34 = tpu.memref_slice %arg4[%dma_start3A_33] : memref<2500000xf32, #tpu.memory_space<hbm>> -> memref<2500000xf32, #tpu.memory_space<hbm>>
      tpu.enqueue_indirect_dma source(%dma_start3A_34 : memref<2500000xf32, #tpu.memory_space<hbm>>) target(%dma_start3A_29 : memref<128xf32, #tpu.memory_space<vmem>>) offsets(%dma_start3A_32 : memref<128xi32, #tpu.memory_space<vmem>>) semaphore(%arg14 : memref<!tpu.dma_semaphore, #tpu.memory_space<semaphore_mem>>)
      %dma_start3A_35 = arith.constant 0 : i32
      %dma_start3A_36 = tpu.memref_slice %arg12[%scan3A_19, %dma_start3A_35] : memref<32x128xf32, #tpu.memory_space<vmem>> -> memref<1x128xf32, #tpu.memory_space<vmem>>
      %dma_start3A_37 = tpu.memref_squeeze %dma_start3A_36 : memref<1x128xf32, #tpu.memory_space<vmem>> -> memref<128xf32, #tpu.memory_space<vmem>>
      %dma_start3A_38 = arith.constant 0 : i32
      %dma_start3A_39 = tpu.memref_slice %arg9[%scan3A_19, %dma_start3A_38] : memref<32x128xi32, #tpu.memory_space<vmem>> -> memref<1x128xi32, #tpu.memory_space<vmem>>
      %dma_start3A_40 = tpu.memref_squeeze %dma_start3A_39 : memref<1x128xi32, #tpu.memory_space<vmem>> -> memref<128xi32, #tpu.memory_space<vmem>>
      %dma_start3A_41 = arith.constant 0 : i32
      %dma_start3A_42 = tpu.memref_slice %arg5[%dma_start3A_41] : memref<2500000xf32, #tpu.memory_space<hbm>> -> memref<2500000xf32, #tpu.memory_space<hbm>>
      tpu.enqueue_indirect_dma source(%dma_start3A_42 : memref<2500000xf32, #tpu.memory_space<hbm>>) target(%dma_start3A_37 : memref<128xf32, #tpu.memory_space<vmem>>) offsets(%dma_start3A_40 : memref<128xi32, #tpu.memory_space<vmem>>) semaphore(%arg15 : memref<!tpu.dma_semaphore, #tpu.memory_space<semaphore_mem>>)
    }
    %scan3A_7 = arith.constant 32 : i32
    %dma_wait3A = arith.constant 0 : i32
    %dma_wait3A_8 = tpu.memref_slice %arg6[%mul3A_2, %dma_wait3A] : memref<1024x128xf32, #tpu.memory_space<hbm>> -> memref<32x128xf32, #tpu.memory_space<hbm>>
    %dma_wait3A_9 = arith.constant 0 : i32
    %dma_wait3A_10 = tpu.memref_slice %arg6[%mul3A_2, %dma_wait3A_9] : memref<1024x128xf32, #tpu.memory_space<hbm>> -> memref<32x128xf32, #tpu.memory_space<hbm>>
    tpu.wait_dma2 semaphore(%arg13 : memref<!tpu.dma_semaphore, #tpu.memory_space<semaphore_mem>>) src(%dma_wait3A_10 : memref<32x128xf32, #tpu.memory_space<hbm>>) dst(%arg10 : memref<32x128xf32, #tpu.memory_space<vmem>>)
    %dma_wait3A_11 = arith.constant 0 : i32
    %dma_wait3A_12 = tpu.memref_slice %arg7[%mul3A_2, %dma_wait3A_11] : memref<1024x128xf32, #tpu.memory_space<hbm>> -> memref<32x128xf32, #tpu.memory_space<hbm>>
    %dma_wait3A_13 = arith.constant 0 : i32
    %dma_wait3A_14 = tpu.memref_slice %arg7[%mul3A_2, %dma_wait3A_13] : memref<1024x128xf32, #tpu.memory_space<hbm>> -> memref<32x128xf32, #tpu.memory_space<hbm>>
    tpu.wait_dma2 semaphore(%arg14 : memref<!tpu.dma_semaphore, #tpu.memory_space<semaphore_mem>>) src(%dma_wait3A_14 : memref<32x128xf32, #tpu.memory_space<hbm>>) dst(%arg11 : memref<32x128xf32, #tpu.memory_space<vmem>>)
    %dma_wait3A_15 = arith.constant 0 : i32
    %dma_wait3A_16 = tpu.memref_slice %arg8[%mul3A_2, %dma_wait3A_15] : memref<1024x128xf32, #tpu.memory_space<hbm>> -> memref<32x128xf32, #tpu.memory_space<hbm>>
    %dma_wait3A_17 = arith.constant 0 : i32
    %dma_wait3A_18 = tpu.memref_slice %arg8[%mul3A_2, %dma_wait3A_17] : memref<1024x128xf32, #tpu.memory_space<hbm>> -> memref<32x128xf32, #tpu.memory_space<hbm>>
    tpu.wait_dma2 semaphore(%arg15 : memref<!tpu.dma_semaphore, #tpu.memory_space<semaphore_mem>>) src(%dma_wait3A_18 : memref<32x128xf32, #tpu.memory_space<hbm>>) dst(%arg12 : memref<32x128xf32, #tpu.memory_space<vmem>>)
    "tpu.region"() ({
      %run_scoped3A = tpu.sem_alloc : memref<!tpu.dma_semaphore, #tpu.memory_space<semaphore_mem>>
      %dma_start3A = arith.constant 0 : i32
      %dma_start3A_19 = tpu.memref_slice %arg6[%mul3A_2, %dma_start3A] : memref<1024x128xf32, #tpu.memory_space<hbm>> -> memref<32x128xf32, #tpu.memory_space<hbm>>
      %dma_start3A_20 = arith.constant 0 : i32
      %dma_start3A_21 = tpu.memref_slice %arg6[%mul3A_2, %dma_start3A_20] : memref<1024x128xf32, #tpu.memory_space<hbm>> -> memref<32x128xf32, #tpu.memory_space<hbm>>
      tpu.enqueue_dma source(%arg10 : memref<32x128xf32, #tpu.memory_space<vmem>>) target(%dma_start3A_21 : memref<32x128xf32, #tpu.memory_space<hbm>>) target_semaphore(%run_scoped3A : memref<!tpu.dma_semaphore, #tpu.memory_space<semaphore_mem>>)
      %dma_wait3A_22 = arith.constant 0 : i32
      %dma_wait3A_23 = tpu.memref_slice %arg6[%mul3A_2, %dma_wait3A_22] : memref<1024x128xf32, #tpu.memory_space<hbm>> -> memref<32x128xf32, #tpu.memory_space<hbm>>
      %dma_wait3A_24 = arith.constant 0 : i32
      %dma_wait3A_25 = tpu.memref_slice %arg6[%mul3A_2, %dma_wait3A_24] : memref<1024x128xf32, #tpu.memory_space<hbm>> -> memref<32x128xf32, #tpu.memory_space<hbm>>
      tpu.wait_dma2 semaphore(%run_scoped3A : memref<!tpu.dma_semaphore, #tpu.memory_space<semaphore_mem>>) src(%arg10 : memref<32x128xf32, #tpu.memory_space<vmem>>) dst(%dma_wait3A_25 : memref<32x128xf32, #tpu.memory_space<hbm>>)
      tpu.yield
    }) : () -> ()
    "tpu.region"() ({
      %run_scoped3A = tpu.sem_alloc : memref<!tpu.dma_semaphore, #tpu.memory_space<semaphore_mem>>
      %dma_start3A = arith.constant 0 : i32
      %dma_start3A_19 = tpu.memref_slice %arg7[%mul3A_2, %dma_start3A] : memref<1024x128xf32, #tpu.memory_space<hbm>> -> memref<32x128xf32, #tpu.memory_space<hbm>>
      %dma_start3A_20 = arith.constant 0 : i32
      %dma_start3A_21 = tpu.memref_slice %arg7[%mul3A_2, %dma_start3A_20] : memref<1024x128xf32, #tpu.memory_space<hbm>> -> memref<32x128xf32, #tpu.memory_space<hbm>>
      tpu.enqueue_dma source(%arg11 : memref<32x128xf32, #tpu.memory_space<vmem>>) target(%dma_start3A_21 : memref<32x128xf32, #tpu.memory_space<hbm>>) target_semaphore(%run_scoped3A : memref<!tpu.dma_semaphore, #tpu.memory_space<semaphore_mem>>)
      %dma_wait3A_22 = arith.constant 0 : i32
      %dma_wait3A_23 = tpu.memref_slice %arg7[%mul3A_2, %dma_wait3A_22] : memref<1024x128xf32, #tpu.memory_space<hbm>> -> memref<32x128xf32, #tpu.memory_space<hbm>>
      %dma_wait3A_24 = arith.constant 0 : i32
      %dma_wait3A_25 = tpu.memref_slice %arg7[%mul3A_2, %dma_wait3A_24] : memref<1024x128xf32, #tpu.memory_space<hbm>> -> memref<32x128xf32, #tpu.memory_space<hbm>>
      tpu.wait_dma2 semaphore(%run_scoped3A : memref<!tpu.dma_semaphore, #tpu.memory_space<semaphore_mem>>) src(%arg11 : memref<32x128xf32, #tpu.memory_space<vmem>>) dst(%dma_wait3A_25 : memref<32x128xf32, #tpu.memory_space<hbm>>)
      tpu.yield
    }) : () -> ()
    "tpu.region"() ({
      %run_scoped3A = tpu.sem_alloc : memref<!tpu.dma_semaphore, #tpu.memory_space<semaphore_mem>>
      %dma_start3A = arith.constant 0 : i32
      %dma_start3A_19 = tpu.memref_slice %arg8[%mul3A_2, %dma_start3A] : memref<1024x128xf32, #tpu.memory_space<hbm>> -> memref<32x128xf32, #tpu.memory_space<hbm>>
      %dma_start3A_20 = arith.constant 0 : i32
      %dma_start3A_21 = tpu.memref_slice %arg8[%mul3A_2, %dma_start3A_20] : memref<1024x128xf32, #tpu.memory_space<hbm>> -> memref<32x128xf32, #tpu.memory_space<hbm>>
      tpu.enqueue_dma source(%arg12 : memref<32x128xf32, #tpu.memory_space<vmem>>) target(%dma_start3A_21 : memref<32x128xf32, #tpu.memory_space<hbm>>) target_semaphore(%run_scoped3A : memref<!tpu.dma_semaphore, #tpu.memory_space<semaphore_mem>>)
      %dma_wait3A_22 = arith.constant 0 : i32
      %dma_wait3A_23 = tpu.memref_slice %arg8[%mul3A_2, %dma_wait3A_22] : memref<1024x128xf32, #tpu.memory_space<hbm>> -> memref<32x128xf32, #tpu.memory_space<hbm>>
      %dma_wait3A_24 = arith.constant 0 : i32
      %dma_wait3A_25 = tpu.memref_slice %arg8[%mul3A_2, %dma_wait3A_24] : memref<1024x128xf32, #tpu.memory_space<hbm>> -> memref<32x128xf32, #tpu.memory_space<hbm>>
      tpu.wait_dma2 semaphore(%run_scoped3A : memref<!tpu.dma_semaphore, #tpu.memory_space<semaphore_mem>>) src(%arg12 : memref<32x128xf32, #tpu.memory_space<vmem>>) dst(%dma_wait3A_25 : memref<32x128xf32, #tpu.memory_space<hbm>>)
      tpu.yield
    }) : () -> ()
    return
  }
}

module attributes {stable_mosaic.version = 14 : i64} {
  func.func @_field_body(%arg0: i32, %arg1: memref<8x1x256xf32, #tpu.memory_space<vmem>>, %arg2: memref<8x1x256xf32, #tpu.memory_space<vmem>>, %arg3: memref<8x1x256xf32, #tpu.memory_space<vmem>>, %arg4: memref<4096x64xf32, #tpu.memory_space<vmem>>) attributes {dimension_semantics = [#tpu.dimension_semantics<arbitrary>], iteration_bounds = array<i64: 64>, scalar_prefetch = 0 : i64, scratch_operands = 0 : i64, tpu.core_type = #tpu.core_type<tc>, window_params = [{transform_indices = @transform_0, window_bounds = array<i64: 8, 1, 256>}, {transform_indices = @transform_1, window_bounds = array<i64: 8, 1, 256>}, {transform_indices = @transform_2, window_bounds = array<i64: 8, 1, 256>}, {transform_indices = @transform_3, window_bounds = array<i64: 4096, 64>}]} {
    %iota3A = tpu.iota {dimensions = array<i32: 0>} : vector<64x1xi32>
    %convert_element_type3A = arith.sitofp %iota3A : vector<64x1xi32> to vector<64x1xf32>
    %mul3A = arith.constant 0.126984134 : f32
    %mul3A_0 = vector.broadcast %mul3A : f32 to vector<64x1xf32>
    %mul3A_1 = arith.mulf %convert_element_type3A, %mul3A_0 : vector<64x1xf32>
    %add3A = arith.constant -4.000000e+00 : f32
    %add3A_2 = vector.broadcast %add3A : f32 to vector<64x1xf32>
    %add3A_3 = arith.addf %mul3A_1, %add3A_2 : vector<64x1xf32>
    %iota3A_4 = tpu.iota {dimensions = array<i32: 1>} : vector<1x256xi32>
    %jit3A = arith.constant 32 : i32
    %eq3A = arith.constant 0 : i32
    %eq3A_5 = arith.cmpi eq, %jit3A, %eq3A : i32
    %jit3A_6 = arith.constant 1 : i32
    %select_n3A = arith.select %eq3A_5, %jit3A_6, %jit3A : i32
    %rem3A = vector.broadcast %select_n3A : i32 to vector<1x256xi32>
    %rem3A_7 = arith.remsi %iota3A_4, %rem3A : vector<1x256xi32>
    %ne3A = arith.constant 0 : i32
    %ne3A_8 = vector.broadcast %ne3A : i32 to vector<1x256xi32>
    %ne3A_9 = arith.cmpi ne, %rem3A_7, %ne3A_8 : vector<1x256xi32>
    %lt3A = arith.constant 0 : i32
    %lt3A_10 = vector.broadcast %lt3A : i32 to vector<1x256xi32>
    %lt3A_11 = arith.cmpi slt, %rem3A_7, %lt3A_10 : vector<1x256xi32>
    %lt3A_12 = arith.constant 0 : i32
    %lt3A_13 = arith.cmpi slt, %select_n3A, %lt3A_12 : i32
    %ne3A_14 = vector.broadcast %lt3A_13 : i1 to vector<1x256xi1>
    %ne3A_15 = vector.broadcast %ne3A_14 : vector<1x256xi1> to vector<1x256xi1>
    %ne3A_16 = arith.xori %lt3A_11, %ne3A_15 : vector<1x256xi1>
    %and3A = arith.andi %ne3A_16, %ne3A_9 : vector<1x256xi1>
    %add3A_17 = vector.broadcast %select_n3A : i32 to vector<1x256xi32>
    %add3A_18 = arith.addi %rem3A_7, %add3A_17 : vector<1x256xi32>
    %select_n3A_19 = arith.select %and3A, %add3A_18, %rem3A_7 : vector<1x256xi1>, vector<1x256xi32>
    %lt3A_20 = arith.constant 25 : i32
    %lt3A_21 = vector.broadcast %lt3A_20 : i32 to vector<1x256xi32>
    %lt3A_22 = arith.cmpi slt, %select_n3A_19, %lt3A_21 : vector<1x256xi32>
    %get3A = arith.constant 0 : index
    %get3A_23 = arith.constant 0 : index
    %get3A_24 = arith.constant 0 : index
    %get3A_25 = vector.load %arg1[%get3A, %get3A_23, %get3A_24] : memref<8x1x256xf32, #tpu.memory_space<vmem>>, vector<1x1x256xf32>
    %get3A_26 = vector.shape_cast %get3A_25 : vector<1x1x256xf32> to vector<1x256xf32>
    %get3A_27 = arith.constant 0 : index
    %get3A_28 = arith.constant 0 : index
    %get3A_29 = arith.constant 0 : index
    %get3A_30 = vector.load %arg2[%get3A_27, %get3A_28, %get3A_29] : memref<8x1x256xf32, #tpu.memory_space<vmem>>, vector<1x1x256xf32>
    %get3A_31 = vector.shape_cast %get3A_30 : vector<1x1x256xf32> to vector<1x256xf32>
    %get3A_32 = arith.constant 0 : index
    %get3A_33 = arith.constant 0 : index
    %get3A_34 = arith.constant 0 : index
    %get3A_35 = vector.load %arg3[%get3A_32, %get3A_33, %get3A_34] : memref<8x1x256xf32, #tpu.memory_space<vmem>>, vector<1x1x256xf32>
    %get3A_36 = vector.shape_cast %get3A_35 : vector<1x1x256xf32> to vector<1x256xf32>
    %jit3A_37 = arith.constant 0.000000e+00 : f32
    %broadcast_in_dim3A = vector.broadcast %jit3A_37 : f32 to vector<1x256xf32>
    %select_n3A_38 = arith.select %lt3A_22, %get3A_36, %broadcast_in_dim3A : vector<1x256xi1>, vector<1x256xf32>
    %sub3A = vector.broadcast %add3A_3 : vector<64x1xf32> to vector<64x256xf32>
    %sub3A_39 = vector.broadcast %get3A_26 : vector<1x256xf32> to vector<64x256xf32>
    %sub3A_40 = arith.subf %sub3A, %sub3A_39 : vector<64x256xf32>
    %integer_pow3A = arith.mulf %sub3A_40, %sub3A_40 : vector<64x256xf32>
    %mul3A_41 = arith.constant -5.000000e-01 : f32
    %mul3A_42 = vector.broadcast %mul3A_41 : f32 to vector<64x256xf32>
    %mul3A_43 = arith.mulf %mul3A_42, %integer_pow3A : vector<64x256xf32>
    %exp3A = math.exp %mul3A_43 : vector<64x256xf32>
    %convert_element_type3A_44 = arith.truncf %exp3A : vector<64x256xf32> to vector<64x256xbf16>
    %sub3A_45 = vector.broadcast %add3A_3 : vector<64x1xf32> to vector<64x256xf32>
    %sub3A_46 = vector.broadcast %get3A_31 : vector<1x256xf32> to vector<64x256xf32>
    %sub3A_47 = arith.subf %sub3A_45, %sub3A_46 : vector<64x256xf32>
    %integer_pow3A_48 = arith.mulf %sub3A_47, %sub3A_47 : vector<64x256xf32>
    %mul3A_49 = arith.constant -5.000000e-01 : f32
    %mul3A_50 = vector.broadcast %mul3A_49 : f32 to vector<64x256xf32>
    %mul3A_51 = arith.mulf %mul3A_50, %integer_pow3A_48 : vector<64x256xf32>
    %exp3A_52 = math.exp %mul3A_51 : vector<64x256xf32>
    %mul3A_53 = vector.broadcast %select_n3A_38 : vector<1x256xf32> to vector<64x256xf32>
    %mul3A_54 = arith.mulf %exp3A_52, %mul3A_53 : vector<64x256xf32>
    %convert_element_type3A_55 = arith.truncf %mul3A_54 : vector<64x256xf32> to vector<64x256xbf16>
    %slice3A = vector.extract_strided_slice %convert_element_type3A_44 {offsets = [0, 0], sizes = [64, 32], strides = [1, 1]} : vector<64x256xbf16> to vector<64x32xbf16>
    %slice3A_56 = vector.extract_strided_slice %convert_element_type3A_55 {offsets = [0, 0], sizes = [64, 32], strides = [1, 1]} : vector<64x256xbf16> to vector<64x32xbf16>
    %dot_general3A = arith.constant dense<0.000000e+00> : vector<64x64xf32>
    %dot_general3A_57 = tpu.matmul %slice3A, %slice3A_56, %dot_general3A {dimension_numbers = #tpu.dot_dimension_numbers<[1], [1], [0], [0], [0, 0, 1, 0], [], []>, transpose_lhs_hint = false} : vector<64x32xbf16>, vector<64x32xbf16>, vector<64x64xf32> -> vector<64x64xf32>
    %swap3A = arith.constant 0 : index
    %swap3A_58 = arith.constant 0 : index
    %swap3A_59 = vector.load %arg4[%swap3A, %swap3A_58] : memref<4096x64xf32, #tpu.memory_space<vmem>>, vector<64x64xf32>
    tpu.vector_store %arg4[%swap3A, %swap3A_58], %dot_general3A_57 {strides = array<i32>} : memref<4096x64xf32, #tpu.memory_space<vmem>>, vector<64x64xf32>,
    %slice3A_60 = vector.extract_strided_slice %convert_element_type3A_44 {offsets = [0, 32], sizes = [64, 32], strides = [1, 1]} : vector<64x256xbf16> to vector<64x32xbf16>
    %slice3A_61 = vector.extract_strided_slice %convert_element_type3A_55 {offsets = [0, 32], sizes = [64, 32], strides = [1, 1]} : vector<64x256xbf16> to vector<64x32xbf16>
    %dot_general3A_62 = arith.constant dense<0.000000e+00> : vector<64x64xf32>
    %dot_general3A_63 = tpu.matmul %slice3A_60, %slice3A_61, %dot_general3A_62 {dimension_numbers = #tpu.dot_dimension_numbers<[1], [1], [0], [0], [0, 0, 1, 0], [], []>, transpose_lhs_hint = false} : vector<64x32xbf16>, vector<64x32xbf16>, vector<64x64xf32> -> vector<64x64xf32>
    %swap3A_64 = arith.constant 64 : index
    %swap3A_65 = arith.constant 0 : index
    %swap3A_66 = vector.load %arg4[%swap3A_64, %swap3A_65] : memref<4096x64xf32, #tpu.memory_space<vmem>>, vector<64x64xf32>
    tpu.vector_store %arg4[%swap3A_64, %swap3A_65], %dot_general3A_63 {strides = array<i32>} : memref<4096x64xf32, #tpu.memory_space<vmem>>, vector<64x64xf32>,
    %slice3A_67 = vector.extract_strided_slice %convert_element_type3A_44 {offsets = [0, 64], sizes = [64, 32], strides = [1, 1]} : vector<64x256xbf16> to vector<64x32xbf16>
    %slice3A_68 = vector.extract_strided_slice %convert_element_type3A_55 {offsets = [0, 64], sizes = [64, 32], strides = [1, 1]} : vector<64x256xbf16> to vector<64x32xbf16>
    %dot_general3A_69 = arith.constant dense<0.000000e+00> : vector<64x64xf32>
    %dot_general3A_70 = tpu.matmul %slice3A_67, %slice3A_68, %dot_general3A_69 {dimension_numbers = #tpu.dot_dimension_numbers<[1], [1], [0], [0], [0, 0, 1, 0], [], []>, transpose_lhs_hint = false} : vector<64x32xbf16>, vector<64x32xbf16>, vector<64x64xf32> -> vector<64x64xf32>
    %swap3A_71 = arith.constant 128 : index
    %swap3A_72 = arith.constant 0 : index
    %swap3A_73 = vector.load %arg4[%swap3A_71, %swap3A_72] : memref<4096x64xf32, #tpu.memory_space<vmem>>, vector<64x64xf32>
    tpu.vector_store %arg4[%swap3A_71, %swap3A_72], %dot_general3A_70 {strides = array<i32>} : memref<4096x64xf32, #tpu.memory_space<vmem>>, vector<64x64xf32>,
    %slice3A_74 = vector.extract_strided_slice %convert_element_type3A_44 {offsets = [0, 96], sizes = [64, 32], strides = [1, 1]} : vector<64x256xbf16> to vector<64x32xbf16>
    %slice3A_75 = vector.extract_strided_slice %convert_element_type3A_55 {offsets = [0, 96], sizes = [64, 32], strides = [1, 1]} : vector<64x256xbf16> to vector<64x32xbf16>
    %dot_general3A_76 = arith.constant dense<0.000000e+00> : vector<64x64xf32>
    %dot_general3A_77 = tpu.matmul %slice3A_74, %slice3A_75, %dot_general3A_76 {dimension_numbers = #tpu.dot_dimension_numbers<[1], [1], [0], [0], [0, 0, 1, 0], [], []>, transpose_lhs_hint = false} : vector<64x32xbf16>, vector<64x32xbf16>, vector<64x64xf32> -> vector<64x64xf32>
    %swap3A_78 = arith.constant 192 : index
    %swap3A_79 = arith.constant 0 : index
    %swap3A_80 = vector.load %arg4[%swap3A_78, %swap3A_79] : memref<4096x64xf32, #tpu.memory_space<vmem>>, vector<64x64xf32>
    tpu.vector_store %arg4[%swap3A_78, %swap3A_79], %dot_general3A_77 {strides = array<i32>} : memref<4096x64xf32, #tpu.memory_space<vmem>>, vector<64x64xf32>,
    %slice3A_81 = vector.extract_strided_slice %convert_element_type3A_44 {offsets = [0, 128], sizes = [64, 32], strides = [1, 1]} : vector<64x256xbf16> to vector<64x32xbf16>
    %slice3A_82 = vector.extract_strided_slice %convert_element_type3A_55 {offsets = [0, 128], sizes = [64, 32], strides = [1, 1]} : vector<64x256xbf16> to vector<64x32xbf16>
    %dot_general3A_83 = arith.constant dense<0.000000e+00> : vector<64x64xf32>
    %dot_general3A_84 = tpu.matmul %slice3A_81, %slice3A_82, %dot_general3A_83 {dimension_numbers = #tpu.dot_dimension_numbers<[1], [1], [0], [0], [0, 0, 1, 0], [], []>, transpose_lhs_hint = false} : vector<64x32xbf16>, vector<64x32xbf16>, vector<64x64xf32> -> vector<64x64xf32>
    %swap3A_85 = arith.constant 256 : index
    %swap3A_86 = arith.constant 0 : index
    %swap3A_87 = vector.load %arg4[%swap3A_85, %swap3A_86] : memref<4096x64xf32, #tpu.memory_space<vmem>>, vector<64x64xf32>
    tpu.vector_store %arg4[%swap3A_85, %swap3A_86], %dot_general3A_84 {strides = array<i32>} : memref<4096x64xf32, #tpu.memory_space<vmem>>, vector<64x64xf32>,
    %slice3A_88 = vector.extract_strided_slice %convert_element_type3A_44 {offsets = [0, 160], sizes = [64, 32], strides = [1, 1]} : vector<64x256xbf16> to vector<64x32xbf16>
    %slice3A_89 = vector.extract_strided_slice %convert_element_type3A_55 {offsets = [0, 160], sizes = [64, 32], strides = [1, 1]} : vector<64x256xbf16> to vector<64x32xbf16>
    %dot_general3A_90 = arith.constant dense<0.000000e+00> : vector<64x64xf32>
    %dot_general3A_91 = tpu.matmul %slice3A_88, %slice3A_89, %dot_general3A_90 {dimension_numbers = #tpu.dot_dimension_numbers<[1], [1], [0], [0], [0, 0, 1, 0], [], []>, transpose_lhs_hint = false} : vector<64x32xbf16>, vector<64x32xbf16>, vector<64x64xf32> -> vector<64x64xf32>
    %swap3A_92 = arith.constant 320 : index
    %swap3A_93 = arith.constant 0 : index
    %swap3A_94 = vector.load %arg4[%swap3A_92, %swap3A_93] : memref<4096x64xf32, #tpu.memory_space<vmem>>, vector<64x64xf32>
    tpu.vector_store %arg4[%swap3A_92, %swap3A_93], %dot_general3A_91 {strides = array<i32>} : memref<4096x64xf32, #tpu.memory_space<vmem>>, vector<64x64xf32>,
    %slice3A_95 = vector.extract_strided_slice %convert_element_type3A_44 {offsets = [0, 192], sizes = [64, 32], strides = [1, 1]} : vector<64x256xbf16> to vector<64x32xbf16>
    %slice3A_96 = vector.extract_strided_slice %convert_element_type3A_55 {offsets = [0, 192], sizes = [64, 32], strides = [1, 1]} : vector<64x256xbf16> to vector<64x32xbf16>
    %dot_general3A_97 = arith.constant dense<0.000000e+00> : vector<64x64xf32>
    %dot_general3A_98 = tpu.matmul %slice3A_95, %slice3A_96, %dot_general3A_97 {dimension_numbers = #tpu.dot_dimension_numbers<[1], [1], [0], [0], [0, 0, 1, 0], [], []>, transpose_lhs_hint = false} : vector<64x32xbf16>, vector<64x32xbf16>, vector<64x64xf32> -> vector<64x64xf32>
    %swap3A_99 = arith.constant 384 : index
    %swap3A_100 = arith.constant 0 : index
    %swap3A_101 = vector.load %arg4[%swap3A_99, %swap3A_100] : memref<4096x64xf32, #tpu.memory_space<vmem>>, vector<64x64xf32>
    tpu.vector_store %arg4[%swap3A_99, %swap3A_100], %dot_general3A_98 {strides = array<i32>} : memref<4096x64xf32, #tpu.memory_space<vmem>>, vector<64x64xf32>,
    %slice3A_102 = vector.extract_strided_slice %convert_element_type3A_44 {offsets = [0, 224], sizes = [64, 32], strides = [1, 1]} : vector<64x256xbf16> to vector<64x32xbf16>
    %slice3A_103 = vector.extract_strided_slice %convert_element_type3A_55 {offsets = [0, 224], sizes = [64, 32], strides = [1, 1]} : vector<64x256xbf16> to vector<64x32xbf16>
    %dot_general3A_104 = arith.constant dense<0.000000e+00> : vector<64x64xf32>
    %dot_general3A_105 = tpu.matmul %slice3A_102, %slice3A_103, %dot_general3A_104 {dimension_numbers = #tpu.dot_dimension_numbers<[1], [1], [0], [0], [0, 0, 1, 0], [], []>, transpose_lhs_hint = false} : vector<64x32xbf16>, vector<64x32xbf16>, vector<64x64xf32> -> vector<64x64xf32>
    %swap3A_106 = arith.constant 448 : index
    %swap3A_107 = arith.constant 0 : index
    %swap3A_108 = vector.load %arg4[%swap3A_106, %swap3A_107] : memref<4096x64xf32, #tpu.memory_space<vmem>>, vector<64x64xf32>
    tpu.vector_store %arg4[%swap3A_106, %swap3A_107], %dot_general3A_105 {strides = array<i32>} : memref<4096x64xf32, #tpu.memory_space<vmem>>, vector<64x64xf32>,
    %get3A_109 = arith.constant 1 : index
    %get3A_110 = arith.constant 0 : index
    %get3A_111 = arith.constant 0 : index
    %get3A_112 = vector.load %arg1[%get3A_109, %get3A_110, %get3A_111] : memref<8x1x256xf32, #tpu.memory_space<vmem>>, vector<1x1x256xf32>
    %get3A_113 = vector.shape_cast %get3A_112 : vector<1x1x256xf32> to vector<1x256xf32>
    %get3A_114 = arith.constant 1 : index
    %get3A_115 = arith.constant 0 : index
    %get3A_116 = arith.constant 0 : index
    %get3A_117 = vector.load %arg2[%get3A_114, %get3A_115, %get3A_116] : memref<8x1x256xf32, #tpu.memory_space<vmem>>, vector<1x1x256xf32>
    %get3A_118 = vector.shape_cast %get3A_117 : vector<1x1x256xf32> to vector<1x256xf32>
    %get3A_119 = arith.constant 1 : index
    %get3A_120 = arith.constant 0 : index
    %get3A_121 = arith.constant 0 : index
    %get3A_122 = vector.load %arg3[%get3A_119, %get3A_120, %get3A_121] : memref<8x1x256xf32, #tpu.memory_space<vmem>>, vector<1x1x256xf32>
    %get3A_123 = vector.shape_cast %get3A_122 : vector<1x1x256xf32> to vector<1x256xf32>
    %jit3A_124 = arith.constant 0.000000e+00 : f32
    %broadcast_in_dim3A_125 = vector.broadcast %jit3A_124 : f32 to vector<1x256xf32>
    %select_n3A_126 = arith.select %lt3A_22, %get3A_123, %broadcast_in_dim3A_125 : vector<1x256xi1>, vector<1x256xf32>
    %sub3A_127 = vector.broadcast %add3A_3 : vector<64x1xf32> to vector<64x256xf32>
    %sub3A_128 = vector.broadcast %get3A_113 : vector<1x256xf32> to vector<64x256xf32>
    %sub3A_129 = arith.subf %sub3A_127, %sub3A_128 : vector<64x256xf32>
    %integer_pow3A_130 = arith.mulf %sub3A_129, %sub3A_129 : vector<64x256xf32>
    %mul3A_131 = arith.constant -5.000000e-01 : f32
    %mul3A_132 = vector.broadcast %mul3A_131 : f32 to vector<64x256xf32>
    %mul3A_133 = arith.mulf %mul3A_132, %integer_pow3A_130 : vector<64x256xf32>
    %exp3A_134 = math.exp %mul3A_133 : vector<64x256xf32>
    %convert_element_type3A_135 = arith.truncf %exp3A_134 : vector<64x256xf32> to vector<64x256xbf16>
    %sub3A_136 = vector.broadcast %add3A_3 : vector<64x1xf32> to vector<64x256xf32>
    %sub3A_137 = vector.broadcast %get3A_118 : vector<1x256xf32> to vector<64x256xf32>
    %sub3A_138 = arith.subf %sub3A_136, %sub3A_137 : vector<64x256xf32>
    %integer_pow3A_139 = arith.mulf %sub3A_138, %sub3A_138 : vector<64x256xf32>
    %mul3A_140 = arith.constant -5.000000e-01 : f32
    %mul3A_141 = vector.broadcast %mul3A_140 : f32 to vector<64x256xf32>
    %mul3A_142 = arith.mulf %mul3A_141, %integer_pow3A_139 : vector<64x256xf32>
    %exp3A_143 = math.exp %mul3A_142 : vector<64x256xf32>
    %mul3A_144 = vector.broadcast %select_n3A_126 : vector<1x256xf32> to vector<64x256xf32>
    %mul3A_145 = arith.mulf %exp3A_143, %mul3A_144 : vector<64x256xf32>
    %convert_element_type3A_146 = arith.truncf %mul3A_145 : vector<64x256xf32> to vector<64x256xbf16>
    %slice3A_147 = vector.extract_strided_slice %convert_element_type3A_135 {offsets = [0, 0], sizes = [64, 32], strides = [1, 1]} : vector<64x256xbf16> to vector<64x32xbf16>
    %slice3A_148 = vector.extract_strided_slice %convert_element_type3A_146 {offsets = [0, 0], sizes = [64, 32], strides = [1, 1]} : vector<64x256xbf16> to vector<64x32xbf16>
    %dot_general3A_149 = arith.constant dense<0.000000e+00> : vector<64x64xf32>
    %dot_general3A_150 = tpu.matmul %slice3A_147, %slice3A_148, %dot_general3A_149 {dimension_numbers = #tpu.dot_dimension_numbers<[1], [1], [0], [0], [0, 0, 1, 0], [], []>, transpose_lhs_hint = false} : vector<64x32xbf16>, vector<64x32xbf16>, vector<64x64xf32> -> vector<64x64xf32>
    %swap3A_151 = arith.constant 512 : index
    %swap3A_152 = arith.constant 0 : index
    %swap3A_153 = vector.load %arg4[%swap3A_151, %swap3A_152] : memref<4096x64xf32, #tpu.memory_space<vmem>>, vector<64x64xf32>
    tpu.vector_store %arg4[%swap3A_151, %swap3A_152], %dot_general3A_150 {strides = array<i32>} : memref<4096x64xf32, #tpu.memory_space<vmem>>, vector<64x64xf32>,
    %slice3A_154 = vector.extract_strided_slice %convert_element_type3A_135 {offsets = [0, 32], sizes = [64, 32], strides = [1, 1]} : vector<64x256xbf16> to vector<64x32xbf16>
    %slice3A_155 = vector.extract_strided_slice %convert_element_type3A_146 {offsets = [0, 32], sizes = [64, 32], strides = [1, 1]} : vector<64x256xbf16> to vector<64x32xbf16>
    %dot_general3A_156 = arith.constant dense<0.000000e+00> : vector<64x64xf32>
    %dot_general3A_157 = tpu.matmul %slice3A_154, %slice3A_155, %dot_general3A_156 {dimension_numbers = #tpu.dot_dimension_numbers<[1], [1], [0], [0], [0, 0, 1, 0], [], []>, transpose_lhs_hint = false} : vector<64x32xbf16>, vector<64x32xbf16>, vector<64x64xf32> -> vector<64x64xf32>
    %swap3A_158 = arith.constant 576 : index
    %swap3A_159 = arith.constant 0 : index
    %swap3A_160 = vector.load %arg4[%swap3A_158, %swap3A_159] : memref<4096x64xf32, #tpu.memory_space<vmem>>, vector<64x64xf32>
    tpu.vector_store %arg4[%swap3A_158, %swap3A_159], %dot_general3A_157 {strides = array<i32>} : memref<4096x64xf32, #tpu.memory_space<vmem>>, vector<64x64xf32>,
    %slice3A_161 = vector.extract_strided_slice %convert_element_type3A_135 {offsets = [0, 64], sizes = [64, 32], strides = [1, 1]} : vector<64x256xbf16> to vector<64x32xbf16>
    %slice3A_162 = vector.extract_strided_slice %convert_element_type3A_146 {offsets = [0, 64], sizes = [64, 32], strides = [1, 1]} : vector<64x256xbf16> to vector<64x32xbf16>
    %dot_general3A_163 = arith.constant dense<0.000000e+00> : vector<64x64xf32>
    %dot_general3A_164 = tpu.matmul %slice3A_161, %slice3A_162, %dot_general3A_163 {dimension_numbers = #tpu.dot_dimension_numbers<[1], [1], [0], [0], [0, 0, 1, 0], [], []>, transpose_lhs_hint = false} : vector<64x32xbf16>, vector<64x32xbf16>, vector<64x64xf32> -> vector<64x64xf32>
    %swap3A_165 = arith.constant 640 : index
    %swap3A_166 = arith.constant 0 : index
    %swap3A_167 = vector.load %arg4[%swap3A_165, %swap3A_166] : memref<4096x64xf32, #tpu.memory_space<vmem>>, vector<64x64xf32>
    tpu.vector_store %arg4[%swap3A_165, %swap3A_166], %dot_general3A_164 {strides = array<i32>} : memref<4096x64xf32, #tpu.memory_space<vmem>>, vector<64x64xf32>,
    %slice3A_168 = vector.extract_strided_slice %convert_element_type3A_135 {offsets = [0, 96], sizes = [64, 32], strides = [1, 1]} : vector<64x256xbf16> to vector<64x32xbf16>
    %slice3A_169 = vector.extract_strided_slice %convert_element_type3A_146 {offsets = [0, 96], sizes = [64, 32], strides = [1, 1]} : vector<64x256xbf16> to vector<64x32xbf16>
    %dot_general3A_170 = arith.constant dense<0.000000e+00> : vector<64x64xf32>
    %dot_general3A_171 = tpu.matmul %slice3A_168, %slice3A_169, %dot_general3A_170 {dimension_numbers = #tpu.dot_dimension_numbers<[1], [1], [0], [0], [0, 0, 1, 0], [], []>, transpose_lhs_hint = false} : vector<64x32xbf16>, vector<64x32xbf16>, vector<64x64xf32> -> vector<64x64xf32>
    %swap3A_172 = arith.constant 704 : index
    %swap3A_173 = arith.constant 0 : index
    %swap3A_174 = vector.load %arg4[%swap3A_172, %swap3A_173] : memref<4096x64xf32, #tpu.memory_space<vmem>>, vector<64x64xf32>
    tpu.vector_store %arg4[%swap3A_172, %swap3A_173], %dot_general3A_171 {strides = array<i32>} : memref<4096x64xf32, #tpu.memory_space<vmem>>, vector<64x64xf32>,
    %slice3A_175 = vector.extract_strided_slice %convert_element_type3A_135 {offsets = [0, 128], sizes = [64, 32], strides = [1, 1]} : vector<64x256xbf16> to vector<64x32xbf16>
    %slice3A_176 = vector.extract_strided_slice %convert_element_type3A_146 {offsets = [0, 128], sizes = [64, 32], strides = [1, 1]} : vector<64x256xbf16> to vector<64x32xbf16>
    %dot_general3A_177 = arith.constant dense<0.000000e+00> : vector<64x64xf32>
    %dot_general3A_178 = tpu.matmul %slice3A_175, %slice3A_176, %dot_general3A_177 {dimension_numbers = #tpu.dot_dimension_numbers<[1], [1], [0], [0], [0, 0, 1, 0], [], []>, transpose_lhs_hint = false} : vector<64x32xbf16>, vector<64x32xbf16>, vector<64x64xf32> -> vector<64x64xf32>
    %swap3A_179 = arith.constant 768 : index
    %swap3A_180 = arith.constant 0 : index
    %swap3A_181 = vector.load %arg4[%swap3A_179, %swap3A_180] : memref<4096x64xf32, #tpu.memory_space<vmem>>, vector<64x64xf32>
    tpu.vector_store %arg4[%swap3A_179, %swap3A_180], %dot_general3A_178 {strides = array<i32>} : memref<4096x64xf32, #tpu.memory_space<vmem>>, vector<64x64xf32>,
    %slice3A_182 = vector.extract_strided_slice %convert_element_type3A_135 {offsets = [0, 160], sizes = [64, 32], strides = [1, 1]} : vector<64x256xbf16> to vector<64x32xbf16>
    %slice3A_183 = vector.extract_strided_slice %convert_element_type3A_146 {offsets = [0, 160], sizes = [64, 32], strides = [1, 1]} : vector<64x256xbf16> to vector<64x32xbf16>
    %dot_general3A_184 = arith.constant dense<0.000000e+00> : vector<64x64xf32>
    %dot_general3A_185 = tpu.matmul %slice3A_182, %slice3A_183, %dot_general3A_184 {dimension_numbers = #tpu.dot_dimension_numbers<[1], [1], [0], [0], [0, 0, 1, 0], [], []>, transpose_lhs_hint = false} : vector<64x32xbf16>, vector<64x32xbf16>, vector<64x64xf32> -> vector<64x64xf32>
    %swap3A_186 = arith.constant 832 : index
    %swap3A_187 = arith.constant 0 : index
    %swap3A_188 = vector.load %arg4[%swap3A_186, %swap3A_187] : memref<4096x64xf32, #tpu.memory_space<vmem>>, vector<64x64xf32>
    tpu.vector_store %arg4[%swap3A_186, %swap3A_187], %dot_general3A_185 {strides = array<i32>} : memref<4096x64xf32, #tpu.memory_space<vmem>>, vector<64x64xf32>,
    %slice3A_189 = vector.extract_strided_slice %convert_element_type3A_135 {offsets = [0, 192], sizes = [64, 32], strides = [1, 1]} : vector<64x256xbf16> to vector<64x32xbf16>
    %slice3A_190 = vector.extract_strided_slice %convert_element_type3A_146 {offsets = [0, 192], sizes = [64, 32], strides = [1, 1]} : vector<64x256xbf16> to vector<64x32xbf16>
    %dot_general3A_191 = arith.constant dense<0.000000e+00> : vector<64x64xf32>
    %dot_general3A_192 = tpu.matmul %slice3A_189, %slice3A_190, %dot_general3A_191 {dimension_numbers = #tpu.dot_dimension_numbers<[1], [1], [0], [0], [0, 0, 1, 0], [], []>, transpose_lhs_hint = false} : vector<64x32xbf16>, vector<64x32xbf16>, vector<64x64xf32> -> vector<64x64xf32>
    %swap3A_193 = arith.constant 896 : index
    %swap3A_194 = arith.constant 0 : index
    %swap3A_195 = vector.load %arg4[%swap3A_193, %swap3A_194] : memref<4096x64xf32, #tpu.memory_space<vmem>>, vector<64x64xf32>
    tpu.vector_store %arg4[%swap3A_193, %swap3A_194], %dot_general3A_192 {strides = array<i32>} : memref<4096x64xf32, #tpu.memory_space<vmem>>, vector<64x64xf32>,
    %slice3A_196 = vector.extract_strided_slice %convert_element_type3A_135 {offsets = [0, 224], sizes = [64, 32], strides = [1, 1]} : vector<64x256xbf16> to vector<64x32xbf16>
    %slice3A_197 = vector.extract_strided_slice %convert_element_type3A_146 {offsets = [0, 224], sizes = [64, 32], strides = [1, 1]} : vector<64x256xbf16> to vector<64x32xbf16>
    %dot_general3A_198 = arith.constant dense<0.000000e+00> : vector<64x64xf32>
    %dot_general3A_199 = tpu.matmul %slice3A_196, %slice3A_197, %dot_general3A_198 {dimension_numbers = #tpu.dot_dimension_numbers<[1], [1], [0], [0], [0, 0, 1, 0], [], []>, transpose_lhs_hint = false} : vector<64x32xbf16>, vector<64x32xbf16>, vector<64x64xf32> -> vector<64x64xf32>
    %swap3A_200 = arith.constant 960 : index
    %swap3A_201 = arith.constant 0 : index
    %swap3A_202 = vector.load %arg4[%swap3A_200, %swap3A_201] : memref<4096x64xf32, #tpu.memory_space<vmem>>, vector<64x64xf32>
    tpu.vector_store %arg4[%swap3A_200, %swap3A_201], %dot_general3A_199 {strides = array<i32>} : memref<4096x64xf32, #tpu.memory_space<vmem>>, vector<64x64xf32>,
    %get3A_203 = arith.constant 2 : index
    %get3A_204 = arith.constant 0 : index
    %get3A_205 = arith.constant 0 : index
    %get3A_206 = vector.load %arg1[%get3A_203, %get3A_204, %get3A_205] : memref<8x1x256xf32, #tpu.memory_space<vmem>>, vector<1x1x256xf32>
    %get3A_207 = vector.shape_cast %get3A_206 : vector<1x1x256xf32> to vector<1x256xf32>
    %get3A_208 = arith.constant 2 : index
    %get3A_209 = arith.constant 0 : index
    %get3A_210 = arith.constant 0 : index
    %get3A_211 = vector.load %arg2[%get3A_208, %get3A_209, %get3A_210] : memref<8x1x256xf32, #tpu.memory_space<vmem>>, vector<1x1x256xf32>
    %get3A_212 = vector.shape_cast %get3A_211 : vector<1x1x256xf32> to vector<1x256xf32>
    %get3A_213 = arith.constant 2 : index
    %get3A_214 = arith.constant 0 : index
    %get3A_215 = arith.constant 0 : index
    %get3A_216 = vector.load %arg3[%get3A_213, %get3A_214, %get3A_215] : memref<8x1x256xf32, #tpu.memory_space<vmem>>, vector<1x1x256xf32>
    %get3A_217 = vector.shape_cast %get3A_216 : vector<1x1x256xf32> to vector<1x256xf32>
    %jit3A_218 = arith.constant 0.000000e+00 : f32
    %broadcast_in_dim3A_219 = vector.broadcast %jit3A_218 : f32 to vector<1x256xf32>
    %select_n3A_220 = arith.select %lt3A_22, %get3A_217, %broadcast_in_dim3A_219 : vector<1x256xi1>, vector<1x256xf32>
    %sub3A_221 = vector.broadcast %add3A_3 : vector<64x1xf32> to vector<64x256xf32>
    %sub3A_222 = vector.broadcast %get3A_207 : vector<1x256xf32> to vector<64x256xf32>
    %sub3A_223 = arith.subf %sub3A_221, %sub3A_222 : vector<64x256xf32>
    %integer_pow3A_224 = arith.mulf %sub3A_223, %sub3A_223 : vector<64x256xf32>
    %mul3A_225 = arith.constant -5.000000e-01 : f32
    %mul3A_226 = vector.broadcast %mul3A_225 : f32 to vector<64x256xf32>
    %mul3A_227 = arith.mulf %mul3A_226, %integer_pow3A_224 : vector<64x256xf32>
    %exp3A_228 = math.exp %mul3A_227 : vector<64x256xf32>
    %convert_element_type3A_229 = arith.truncf %exp3A_228 : vector<64x256xf32> to vector<64x256xbf16>
    %sub3A_230 = vector.broadcast %add3A_3 : vector<64x1xf32> to vector<64x256xf32>
    %sub3A_231 = vector.broadcast %get3A_212 : vector<1x256xf32> to vector<64x256xf32>
    %sub3A_232 = arith.subf %sub3A_230, %sub3A_231 : vector<64x256xf32>
    %integer_pow3A_233 = arith.mulf %sub3A_232, %sub3A_232 : vector<64x256xf32>
    %mul3A_234 = arith.constant -5.000000e-01 : f32
    %mul3A_235 = vector.broadcast %mul3A_234 : f32 to vector<64x256xf32>
    %mul3A_236 = arith.mulf %mul3A_235, %integer_pow3A_233 : vector<64x256xf32>
    %exp3A_237 = math.exp %mul3A_236 : vector<64x256xf32>
    %mul3A_238 = vector.broadcast %select_n3A_220 : vector<1x256xf32> to vector<64x256xf32>
    %mul3A_239 = arith.mulf %exp3A_237, %mul3A_238 : vector<64x256xf32>
    %convert_element_type3A_240 = arith.truncf %mul3A_239 : vector<64x256xf32> to vector<64x256xbf16>
    %slice3A_241 = vector.extract_strided_slice %convert_element_type3A_229 {offsets = [0, 0], sizes = [64, 32], strides = [1, 1]} : vector<64x256xbf16> to vector<64x32xbf16>
    %slice3A_242 = vector.extract_strided_slice %convert_element_type3A_240 {offsets = [0, 0], sizes = [64, 32], strides = [1, 1]} : vector<64x256xbf16> to vector<64x32xbf16>
    %dot_general3A_243 = arith.constant dense<0.000000e+00> : vector<64x64xf32>
    %dot_general3A_244 = tpu.matmul %slice3A_241, %slice3A_242, %dot_general3A_243 {dimension_numbers = #tpu.dot_dimension_numbers<[1], [1], [0], [0], [0, 0, 1, 0], [], []>, transpose_lhs_hint = false} : vector<64x32xbf16>, vector<64x32xbf16>, vector<64x64xf32> -> vector<64x64xf32>
    %swap3A_245 = arith.constant 1024 : index
    %swap3A_246 = arith.constant 0 : index
    %swap3A_247 = vector.load %arg4[%swap3A_245, %swap3A_246] : memref<4096x64xf32, #tpu.memory_space<vmem>>, vector<64x64xf32>
    tpu.vector_store %arg4[%swap3A_245, %swap3A_246], %dot_general3A_244 {strides = array<i32>} : memref<4096x64xf32, #tpu.memory_space<vmem>>, vector<64x64xf32>,
    %slice3A_248 = vector.extract_strided_slice %convert_element_type3A_229 {offsets = [0, 32], sizes = [64, 32], strides = [1, 1]} : vector<64x256xbf16> to vector<64x32xbf16>
    %slice3A_249 = vector.extract_strided_slice %convert_element_type3A_240 {offsets = [0, 32], sizes = [64, 32], strides = [1, 1]} : vector<64x256xbf16> to vector<64x32xbf16>
    %dot_general3A_250 = arith.constant dense<0.000000e+00> : vector<64x64xf32>
    %dot_general3A_251 = tpu.matmul %slice3A_248, %slice3A_249, %dot_general3A_250 {dimension_numbers = #tpu.dot_dimension_numbers<[1], [1], [0], [0], [0, 0, 1, 0], [], []>, transpose_lhs_hint = false} : vector<64x32xbf16>, vector<64x32xbf16>, vector<64x64xf32> -> vector<64x64xf32>
    %swap3A_252 = arith.constant 1088 : index
    %swap3A_253 = arith.constant 0 : index
    %swap3A_254 = vector.load %arg4[%swap3A_252, %swap3A_253] : memref<4096x64xf32, #tpu.memory_space<vmem>>, vector<64x64xf32>
    tpu.vector_store %arg4[%swap3A_252, %swap3A_253], %dot_general3A_251 {strides = array<i32>} : memref<4096x64xf32, #tpu.memory_space<vmem>>, vector<64x64xf32>,
    %slice3A_255 = vector.extract_strided_slice %convert_element_type3A_229 {offsets = [0, 64], sizes = [64, 32], strides = [1, 1]} : vector<64x256xbf16> to vector<64x32xbf16>
    %slice3A_256 = vector.extract_strided_slice %convert_element_type3A_240 {offsets = [0, 64], sizes = [64, 32], strides = [1, 1]} : vector<64x256xbf16> to vector<64x32xbf16>
    %dot_general3A_257 = arith.constant dense<0.000000e+00> : vector<64x64xf32>
    %dot_general3A_258 = tpu.matmul %slice3A_255, %slice3A_256, %dot_general3A_257 {dimension_numbers = #tpu.dot_dimension_numbers<[1], [1], [0], [0], [0, 0, 1, 0], [], []>, transpose_lhs_hint = false} : vector<64x32xbf16>, vector<64x32xbf16>, vector<64x64xf32> -> vector<64x64xf32>
    %swap3A_259 = arith.constant 1152 : index
    %swap3A_260 = arith.constant 0 : index
    %swap3A_261 = vector.load %arg4[%swap3A_259, %swap3A_260] : memref<4096x64xf32, #tpu.memory_space<vmem>>, vector<64x64xf32>
    tpu.vector_store %arg4[%swap3A_259, %swap3A_260], %dot_general3A_258 {strides = array<i32>} : memref<4096x64xf32, #tpu.memory_space<vmem>>, vector<64x64xf32>,
    %slice3A_262 = vector.extract_strided_slice %convert_element_type3A_229 {offsets = [0, 96], sizes = [64, 32], strides = [1, 1]} : vector<64x256xbf16> to vector<64x32xbf16>
    %slice3A_263 = vector.extract_strided_slice %convert_element_type3A_240 {offsets = [0, 96], sizes = [64, 32], strides = [1, 1]} : vector<64x256xbf16> to vector<64x32xbf16>
    %dot_general3A_264 = arith.constant dense<0.000000e+00> : vector<64x64xf32>
    %dot_general3A_265 = tpu.matmul %slice3A_262, %slice3A_263, %dot_general3A_264 {dimension_numbers = #tpu.dot_dimension_numbers<[1], [1], [0], [0], [0, 0, 1, 0], [], []>, transpose_lhs_hint = false} : vector<64x32xbf16>, vector<64x32xbf16>, vector<64x64xf32> -> vector<64x64xf32>
    %swap3A_266 = arith.constant 1216 : index
    %swap3A_267 = arith.constant 0 : index
    %swap3A_268 = vector.load %arg4[%swap3A_266, %swap3A_267] : memref<4096x64xf32, #tpu.memory_space<vmem>>, vector<64x64xf32>
    tpu.vector_store %arg4[%swap3A_266, %swap3A_267], %dot_general3A_265 {strides = array<i32>} : memref<4096x64xf32, #tpu.memory_space<vmem>>, vector<64x64xf32>,
    %slice3A_269 = vector.extract_strided_slice %convert_element_type3A_229 {offsets = [0, 128], sizes = [64, 32], strides = [1, 1]} : vector<64x256xbf16> to vector<64x32xbf16>
    %slice3A_270 = vector.extract_strided_slice %convert_element_type3A_240 {offsets = [0, 128], sizes = [64, 32], strides = [1, 1]} : vector<64x256xbf16> to vector<64x32xbf16>
    %dot_general3A_271 = arith.constant dense<0.000000e+00> : vector<64x64xf32>
    %dot_general3A_272 = tpu.matmul %slice3A_269, %slice3A_270, %dot_general3A_271 {dimension_numbers = #tpu.dot_dimension_numbers<[1], [1], [0], [0], [0, 0, 1, 0], [], []>, transpose_lhs_hint = false} : vector<64x32xbf16>, vector<64x32xbf16>, vector<64x64xf32> -> vector<64x64xf32>
    %swap3A_273 = arith.constant 1280 : index
    %swap3A_274 = arith.constant 0 : index
    %swap3A_275 = vector.load %arg4[%swap3A_273, %swap3A_274] : memref<4096x64xf32, #tpu.memory_space<vmem>>, vector<64x64xf32>
    tpu.vector_store %arg4[%swap3A_273, %swap3A_274], %dot_general3A_272 {strides = array<i32>} : memref<4096x64xf32, #tpu.memory_space<vmem>>, vector<64x64xf32>,
    %slice3A_276 = vector.extract_strided_slice %convert_element_type3A_229 {offsets = [0, 160], sizes = [64, 32], strides = [1, 1]} : vector<64x256xbf16> to vector<64x32xbf16>
    %slice3A_277 = vector.extract_strided_slice %convert_element_type3A_240 {offsets = [0, 160], sizes = [64, 32], strides = [1, 1]} : vector<64x256xbf16> to vector<64x32xbf16>
    %dot_general3A_278 = arith.constant dense<0.000000e+00> : vector<64x64xf32>
    %dot_general3A_279 = tpu.matmul %slice3A_276, %slice3A_277, %dot_general3A_278 {dimension_numbers = #tpu.dot_dimension_numbers<[1], [1], [0], [0], [0, 0, 1, 0], [], []>, transpose_lhs_hint = false} : vector<64x32xbf16>, vector<64x32xbf16>, vector<64x64xf32> -> vector<64x64xf32>
    %swap3A_280 = arith.constant 1344 : index
    %swap3A_281 = arith.constant 0 : index
    %swap3A_282 = vector.load %arg4[%swap3A_280, %swap3A_281] : memref<4096x64xf32, #tpu.memory_space<vmem>>, vector<64x64xf32>
    tpu.vector_store %arg4[%swap3A_280, %swap3A_281], %dot_general3A_279 {strides = array<i32>} : memref<4096x64xf32, #tpu.memory_space<vmem>>, vector<64x64xf32>,
    %slice3A_283 = vector.extract_strided_slice %convert_element_type3A_229 {offsets = [0, 192], sizes = [64, 32], strides = [1, 1]} : vector<64x256xbf16> to vector<64x32xbf16>
    %slice3A_284 = vector.extract_strided_slice %convert_element_type3A_240 {offsets = [0, 192], sizes = [64, 32], strides = [1, 1]} : vector<64x256xbf16> to vector<64x32xbf16>
    %dot_general3A_285 = arith.constant dense<0.000000e+00> : vector<64x64xf32>
    %dot_general3A_286 = tpu.matmul %slice3A_283, %slice3A_284, %dot_general3A_285 {dimension_numbers = #tpu.dot_dimension_numbers<[1], [1], [0], [0], [0, 0, 1, 0], [], []>, transpose_lhs_hint = false} : vector<64x32xbf16>, vector<64x32xbf16>, vector<64x64xf32> -> vector<64x64xf32>
    %swap3A_287 = arith.constant 1408 : index
    %swap3A_288 = arith.constant 0 : index
    %swap3A_289 = vector.load %arg4[%swap3A_287, %swap3A_288] : memref<4096x64xf32, #tpu.memory_space<vmem>>, vector<64x64xf32>
    tpu.vector_store %arg4[%swap3A_287, %swap3A_288], %dot_general3A_286 {strides = array<i32>} : memref<4096x64xf32, #tpu.memory_space<vmem>>, vector<64x64xf32>,
    %slice3A_290 = vector.extract_strided_slice %convert_element_type3A_229 {offsets = [0, 224], sizes = [64, 32], strides = [1, 1]} : vector<64x256xbf16> to vector<64x32xbf16>
    %slice3A_291 = vector.extract_strided_slice %convert_element_type3A_240 {offsets = [0, 224], sizes = [64, 32], strides = [1, 1]} : vector<64x256xbf16> to vector<64x32xbf16>
    %dot_general3A_292 = arith.constant dense<0.000000e+00> : vector<64x64xf32>
    %dot_general3A_293 = tpu.matmul %slice3A_290, %slice3A_291, %dot_general3A_292 {dimension_numbers = #tpu.dot_dimension_numbers<[1], [1], [0], [0], [0, 0, 1, 0], [], []>, transpose_lhs_hint = false} : vector<64x32xbf16>, vector<64x32xbf16>, vector<64x64xf32> -> vector<64x64xf32>
    %swap3A_294 = arith.constant 1472 : index
    %swap3A_295 = arith.constant 0 : index
    %swap3A_296 = vector.load %arg4[%swap3A_294, %swap3A_295] : memref<4096x64xf32, #tpu.memory_space<vmem>>, vector<64x64xf32>
    tpu.vector_store %arg4[%swap3A_294, %swap3A_295], %dot_general3A_293 {strides = array<i32>} : memref<4096x64xf32, #tpu.memory_space<vmem>>, vector<64x64xf32>,
    %get3A_297 = arith.constant 3 : index
    %get3A_298 = arith.constant 0 : index
    %get3A_299 = arith.constant 0 : index
    %get3A_300 = vector.load %arg1[%get3A_297, %get3A_298, %get3A_299] : memref<8x1x256xf32, #tpu.memory_space<vmem>>, vector<1x1x256xf32>
    %get3A_301 = vector.shape_cast %get3A_300 : vector<1x1x256xf32> to vector<1x256xf32>
    %get3A_302 = arith.constant 3 : index
    %get3A_303 = arith.constant 0 : index
    %get3A_304 = arith.constant 0 : index
    %get3A_305 = vector.load %arg2[%get3A_302, %get3A_303, %get3A_304] : memref<8x1x256xf32, #tpu.memory_space<vmem>>, vector<1x1x256xf32>
    %get3A_306 = vector.shape_cast %get3A_305 : vector<1x1x256xf32> to vector<1x256xf32>
    %get3A_307 = arith.constant 3 : index
    %get3A_308 = arith.constant 0 : index
    %get3A_309 = arith.constant 0 : index
    %get3A_310 = vector.load %arg3[%get3A_307, %get3A_308, %get3A_309] : memref<8x1x256xf32, #tpu.memory_space<vmem>>, vector<1x1x256xf32>
    %get3A_311 = vector.shape_cast %get3A_310 : vector<1x1x256xf32> to vector<1x256xf32>
    %jit3A_312 = arith.constant 0.000000e+00 : f32
    %broadcast_in_dim3A_313 = vector.broadcast %jit3A_312 : f32 to vector<1x256xf32>
    %select_n3A_314 = arith.select %lt3A_22, %get3A_311, %broadcast_in_dim3A_313 : vector<1x256xi1>, vector<1x256xf32>
    %sub3A_315 = vector.broadcast %add3A_3 : vector<64x1xf32> to vector<64x256xf32>
    %sub3A_316 = vector.broadcast %get3A_301 : vector<1x256xf32> to vector<64x256xf32>
    %sub3A_317 = arith.subf %sub3A_315, %sub3A_316 : vector<64x256xf32>
    %integer_pow3A_318 = arith.mulf %sub3A_317, %sub3A_317 : vector<64x256xf32>
    %mul3A_319 = arith.constant -5.000000e-01 : f32
    %mul3A_320 = vector.broadcast %mul3A_319 : f32 to vector<64x256xf32>
    %mul3A_321 = arith.mulf %mul3A_320, %integer_pow3A_318 : vector<64x256xf32>
    %exp3A_322 = math.exp %mul3A_321 : vector<64x256xf32>
    %convert_element_type3A_323 = arith.truncf %exp3A_322 : vector<64x256xf32> to vector<64x256xbf16>
    %sub3A_324 = vector.broadcast %add3A_3 : vector<64x1xf32> to vector<64x256xf32>
    %sub3A_325 = vector.broadcast %get3A_306 : vector<1x256xf32> to vector<64x256xf32>
    %sub3A_326 = arith.subf %sub3A_324, %sub3A_325 : vector<64x256xf32>
    %integer_pow3A_327 = arith.mulf %sub3A_326, %sub3A_326 : vector<64x256xf32>
    %mul3A_328 = arith.constant -5.000000e-01 : f32
    %mul3A_329 = vector.broadcast %mul3A_328 : f32 to vector<64x256xf32>
    %mul3A_330 = arith.mulf %mul3A_329, %integer_pow3A_327 : vector<64x256xf32>
    %exp3A_331 = math.exp %mul3A_330 : vector<64x256xf32>
    %mul3A_332 = vector.broadcast %select_n3A_314 : vector<1x256xf32> to vector<64x256xf32>
    %mul3A_333 = arith.mulf %exp3A_331, %mul3A_332 : vector<64x256xf32>
    %convert_element_type3A_334 = arith.truncf %mul3A_333 : vector<64x256xf32> to vector<64x256xbf16>
    %slice3A_335 = vector.extract_strided_slice %convert_element_type3A_323 {offsets = [0, 0], sizes = [64, 32], strides = [1, 1]} : vector<64x256xbf16> to vector<64x32xbf16>
    %slice3A_336 = vector.extract_strided_slice %convert_element_type3A_334 {offsets = [0, 0], sizes = [64, 32], strides = [1, 1]} : vector<64x256xbf16> to vector<64x32xbf16>
    %dot_general3A_337 = arith.constant dense<0.000000e+00> : vector<64x64xf32>
    %dot_general3A_338 = tpu.matmul %slice3A_335, %slice3A_336, %dot_general3A_337 {dimension_numbers = #tpu.dot_dimension_numbers<[1], [1], [0], [0], [0, 0, 1, 0], [], []>, transpose_lhs_hint = false} : vector<64x32xbf16>, vector<64x32xbf16>, vector<64x64xf32> -> vector<64x64xf32>
    %swap3A_339 = arith.constant 1536 : index
    %swap3A_340 = arith.constant 0 : index
    %swap3A_341 = vector.load %arg4[%swap3A_339, %swap3A_340] : memref<4096x64xf32, #tpu.memory_space<vmem>>, vector<64x64xf32>
    tpu.vector_store %arg4[%swap3A_339, %swap3A_340], %dot_general3A_338 {strides = array<i32>} : memref<4096x64xf32, #tpu.memory_space<vmem>>, vector<64x64xf32>,
    %slice3A_342 = vector.extract_strided_slice %convert_element_type3A_323 {offsets = [0, 32], sizes = [64, 32], strides = [1, 1]} : vector<64x256xbf16> to vector<64x32xbf16>
    %slice3A_343 = vector.extract_strided_slice %convert_element_type3A_334 {offsets = [0, 32], sizes = [64, 32], strides = [1, 1]} : vector<64x256xbf16> to vector<64x32xbf16>
    %dot_general3A_344 = arith.constant dense<0.000000e+00> : vector<64x64xf32>
    %dot_general3A_345 = tpu.matmul %slice3A_342, %slice3A_343, %dot_general3A_344 {dimension_numbers = #tpu.dot_dimension_numbers<[1], [1], [0], [0], [0, 0, 1, 0], [], []>, transpose_lhs_hint = false} : vector<64x32xbf16>, vector<64x32xbf16>, vector<64x64xf32> -> vector<64x64xf32>
    %swap3A_346 = arith.constant 1600 : index
    %swap3A_347 = arith.constant 0 : index
    %swap3A_348 = vector.load %arg4[%swap3A_346, %swap3A_347] : memref<4096x64xf32, #tpu.memory_space<vmem>>, vector<64x64xf32>
    tpu.vector_store %arg4[%swap3A_346, %swap3A_347], %dot_general3A_345 {strides = array<i32>} : memref<4096x64xf32, #tpu.memory_space<vmem>>, vector<64x64xf32>,
    %slice3A_349 = vector.extract_strided_slice %convert_element_type3A_323 {offsets = [0, 64], sizes = [64, 32], strides = [1, 1]} : vector<64x256xbf16> to vector<64x32xbf16>
    %slice3A_350 = vector.extract_strided_slice %convert_element_type3A_334 {offsets = [0, 64], sizes = [64, 32], strides = [1, 1]} : vector<64x256xbf16> to vector<64x32xbf16>
    %dot_general3A_351 = arith.constant dense<0.000000e+00> : vector<64x64xf32>
    %dot_general3A_352 = tpu.matmul %slice3A_349, %slice3A_350, %dot_general3A_351 {dimension_numbers = #tpu.dot_dimension_numbers<[1], [1], [0], [0], [0, 0, 1, 0], [], []>, transpose_lhs_hint = false} : vector<64x32xbf16>, vector<64x32xbf16>, vector<64x64xf32> -> vector<64x64xf32>
    %swap3A_353 = arith.constant 1664 : index
    %swap3A_354 = arith.constant 0 : index
    %swap3A_355 = vector.load %arg4[%swap3A_353, %swap3A_354] : memref<4096x64xf32, #tpu.memory_space<vmem>>, vector<64x64xf32>
    tpu.vector_store %arg4[%swap3A_353, %swap3A_354], %dot_general3A_352 {strides = array<i32>} : memref<4096x64xf32, #tpu.memory_space<vmem>>, vector<64x64xf32>,
    %slice3A_356 = vector.extract_strided_slice %convert_element_type3A_323 {offsets = [0, 96], sizes = [64, 32], strides = [1, 1]} : vector<64x256xbf16> to vector<64x32xbf16>
    %slice3A_357 = vector.extract_strided_slice %convert_element_type3A_334 {offsets = [0, 96], sizes = [64, 32], strides = [1, 1]} : vector<64x256xbf16> to vector<64x32xbf16>
    %dot_general3A_358 = arith.constant dense<0.000000e+00> : vector<64x64xf32>
    %dot_general3A_359 = tpu.matmul %slice3A_356, %slice3A_357, %dot_general3A_358 {dimension_numbers = #tpu.dot_dimension_numbers<[1], [1], [0], [0], [0, 0, 1, 0], [], []>, transpose_lhs_hint = false} : vector<64x32xbf16>, vector<64x32xbf16>, vector<64x64xf32> -> vector<64x64xf32>
    %swap3A_360 = arith.constant 1728 : index
    %swap3A_361 = arith.constant 0 : index
    %swap3A_362 = vector.load %arg4[%swap3A_360, %swap3A_361] : memref<4096x64xf32, #tpu.memory_space<vmem>>, vector<64x64xf32>
    tpu.vector_store %arg4[%swap3A_360, %swap3A_361], %dot_general3A_359 {strides = array<i32>} : memref<4096x64xf32, #tpu.memory_space<vmem>>, vector<64x64xf32>,
    %slice3A_363 = vector.extract_strided_slice %convert_element_type3A_323 {offsets = [0, 128], sizes = [64, 32], strides = [1, 1]} : vector<64x256xbf16> to vector<64x32xbf16>
    %slice3A_364 = vector.extract_strided_slice %convert_element_type3A_334 {offsets = [0, 128], sizes = [64, 32], strides = [1, 1]} : vector<64x256xbf16> to vector<64x32xbf16>
    %dot_general3A_365 = arith.constant dense<0.000000e+00> : vector<64x64xf32>
    %dot_general3A_366 = tpu.matmul %slice3A_363, %slice3A_364, %dot_general3A_365 {dimension_numbers = #tpu.dot_dimension_numbers<[1], [1], [0], [0], [0, 0, 1, 0], [], []>, transpose_lhs_hint = false} : vector<64x32xbf16>, vector<64x32xbf16>, vector<64x64xf32> -> vector<64x64xf32>
    %swap3A_367 = arith.constant 1792 : index
    %swap3A_368 = arith.constant 0 : index
    %swap3A_369 = vector.load %arg4[%swap3A_367, %swap3A_368] : memref<4096x64xf32, #tpu.memory_space<vmem>>, vector<64x64xf32>
    tpu.vector_store %arg4[%swap3A_367, %swap3A_368], %dot_general3A_366 {strides = array<i32>} : memref<4096x64xf32, #tpu.memory_space<vmem>>, vector<64x64xf32>,
    %slice3A_370 = vector.extract_strided_slice %convert_element_type3A_323 {offsets = [0, 160], sizes = [64, 32], strides = [1, 1]} : vector<64x256xbf16> to vector<64x32xbf16>
    %slice3A_371 = vector.extract_strided_slice %convert_element_type3A_334 {offsets = [0, 160], sizes = [64, 32], strides = [1, 1]} : vector<64x256xbf16> to vector<64x32xbf16>
    %dot_general3A_372 = arith.constant dense<0.000000e+00> : vector<64x64xf32>
    %dot_general3A_373 = tpu.matmul %slice3A_370, %slice3A_371, %dot_general3A_372 {dimension_numbers = #tpu.dot_dimension_numbers<[1], [1], [0], [0], [0, 0, 1, 0], [], []>, transpose_lhs_hint = false} : vector<64x32xbf16>, vector<64x32xbf16>, vector<64x64xf32> -> vector<64x64xf32>
    %swap3A_374 = arith.constant 1856 : index
    %swap3A_375 = arith.constant 0 : index
    %swap3A_376 = vector.load %arg4[%swap3A_374, %swap3A_375] : memref<4096x64xf32, #tpu.memory_space<vmem>>, vector<64x64xf32>
    tpu.vector_store %arg4[%swap3A_374, %swap3A_375], %dot_general3A_373 {strides = array<i32>} : memref<4096x64xf32, #tpu.memory_space<vmem>>, vector<64x64xf32>,
    %slice3A_377 = vector.extract_strided_slice %convert_element_type3A_323 {offsets = [0, 192], sizes = [64, 32], strides = [1, 1]} : vector<64x256xbf16> to vector<64x32xbf16>
    %slice3A_378 = vector.extract_strided_slice %convert_element_type3A_334 {offsets = [0, 192], sizes = [64, 32], strides = [1, 1]} : vector<64x256xbf16> to vector<64x32xbf16>
    %dot_general3A_379 = arith.constant dense<0.000000e+00> : vector<64x64xf32>
    %dot_general3A_380 = tpu.matmul %slice3A_377, %slice3A_378, %dot_general3A_379 {dimension_numbers = #tpu.dot_dimension_numbers<[1], [1], [0], [0], [0, 0, 1, 0], [], []>, transpose_lhs_hint = false} : vector<64x32xbf16>, vector<64x32xbf16>, vector<64x64xf32> -> vector<64x64xf32>
    %swap3A_381 = arith.constant 1920 : index
    %swap3A_382 = arith.constant 0 : index
    %swap3A_383 = vector.load %arg4[%swap3A_381, %swap3A_382] : memref<4096x64xf32, #tpu.memory_space<vmem>>, vector<64x64xf32>
    tpu.vector_store %arg4[%swap3A_381, %swap3A_382], %dot_general3A_380 {strides = array<i32>} : memref<4096x64xf32, #tpu.memory_space<vmem>>, vector<64x64xf32>,
    %slice3A_384 = vector.extract_strided_slice %convert_element_type3A_323 {offsets = [0, 224], sizes = [64, 32], strides = [1, 1]} : vector<64x256xbf16> to vector<64x32xbf16>
    %slice3A_385 = vector.extract_strided_slice %convert_element_type3A_334 {offsets = [0, 224], sizes = [64, 32], strides = [1, 1]} : vector<64x256xbf16> to vector<64x32xbf16>
    %dot_general3A_386 = arith.constant dense<0.000000e+00> : vector<64x64xf32>
    %dot_general3A_387 = tpu.matmul %slice3A_384, %slice3A_385, %dot_general3A_386 {dimension_numbers = #tpu.dot_dimension_numbers<[1], [1], [0], [0], [0, 0, 1, 0], [], []>, transpose_lhs_hint = false} : vector<64x32xbf16>, vector<64x32xbf16>, vector<64x64xf32> -> vector<64x64xf32>
    %swap3A_388 = arith.constant 1984 : index
    %swap3A_389 = arith.constant 0 : index
    %swap3A_390 = vector.load %arg4[%swap3A_388, %swap3A_389] : memref<4096x64xf32, #tpu.memory_space<vmem>>, vector<64x64xf32>
    tpu.vector_store %arg4[%swap3A_388, %swap3A_389], %dot_general3A_387 {strides = array<i32>} : memref<4096x64xf32, #tpu.memory_space<vmem>>, vector<64x64xf32>,
    %get3A_391 = arith.constant 4 : index
    %get3A_392 = arith.constant 0 : index
    %get3A_393 = arith.constant 0 : index
    %get3A_394 = vector.load %arg1[%get3A_391, %get3A_392, %get3A_393] : memref<8x1x256xf32, #tpu.memory_space<vmem>>, vector<1x1x256xf32>
    %get3A_395 = vector.shape_cast %get3A_394 : vector<1x1x256xf32> to vector<1x256xf32>
    %get3A_396 = arith.constant 4 : index
    %get3A_397 = arith.constant 0 : index
    %get3A_398 = arith.constant 0 : index
    %get3A_399 = vector.load %arg2[%get3A_396, %get3A_397, %get3A_398] : memref<8x1x256xf32, #tpu.memory_space<vmem>>, vector<1x1x256xf32>
    %get3A_400 = vector.shape_cast %get3A_399 : vector<1x1x256xf32> to vector<1x256xf32>
    %get3A_401 = arith.constant 4 : index
    %get3A_402 = arith.constant 0 : index
    %get3A_403 = arith.constant 0 : index
    %get3A_404 = vector.load %arg3[%get3A_401, %get3A_402, %get3A_403] : memref<8x1x256xf32, #tpu.memory_space<vmem>>, vector<1x1x256xf32>
    %get3A_405 = vector.shape_cast %get3A_404 : vector<1x1x256xf32> to vector<1x256xf32>
    %jit3A_406 = arith.constant 0.000000e+00 : f32
    %broadcast_in_dim3A_407 = vector.broadcast %jit3A_406 : f32 to vector<1x256xf32>
    %select_n3A_408 = arith.select %lt3A_22, %get3A_405, %broadcast_in_dim3A_407 : vector<1x256xi1>, vector<1x256xf32>
    %sub3A_409 = vector.broadcast %add3A_3 : vector<64x1xf32> to vector<64x256xf32>
    %sub3A_410 = vector.broadcast %get3A_395 : vector<1x256xf32> to vector<64x256xf32>
    %sub3A_411 = arith.subf %sub3A_409, %sub3A_410 : vector<64x256xf32>
    %integer_pow3A_412 = arith.mulf %sub3A_411, %sub3A_411 : vector<64x256xf32>
    %mul3A_413 = arith.constant -5.000000e-01 : f32
    %mul3A_414 = vector.broadcast %mul3A_413 : f32 to vector<64x256xf32>
    %mul3A_415 = arith.mulf %mul3A_414, %integer_pow3A_412 : vector<64x256xf32>
    %exp3A_416 = math.exp %mul3A_415 : vector<64x256xf32>
    %convert_element_type3A_417 = arith.truncf %exp3A_416 : vector<64x256xf32> to vector<64x256xbf16>
    %sub3A_418 = vector.broadcast %add3A_3 : vector<64x1xf32> to vector<64x256xf32>
    %sub3A_419 = vector.broadcast %get3A_400 : vector<1x256xf32> to vector<64x256xf32>
    %sub3A_420 = arith.subf %sub3A_418, %sub3A_419 : vector<64x256xf32>
    %integer_pow3A_421 = arith.mulf %sub3A_420, %sub3A_420 : vector<64x256xf32>
    %mul3A_422 = arith.constant -5.000000e-01 : f32
    %mul3A_423 = vector.broadcast %mul3A_422 : f32 to vector<64x256xf32>
    %mul3A_424 = arith.mulf %mul3A_423, %integer_pow3A_421 : vector<64x256xf32>
    %exp3A_425 = math.exp %mul3A_424 : vector<64x256xf32>
    %mul3A_426 = vector.broadcast %select_n3A_408 : vector<1x256xf32> to vector<64x256xf32>
    %mul3A_427 = arith.mulf %exp3A_425, %mul3A_426 : vector<64x256xf32>
    %convert_element_type3A_428 = arith.truncf %mul3A_427 : vector<64x256xf32> to vector<64x256xbf16>
    %slice3A_429 = vector.extract_strided_slice %convert_element_type3A_417 {offsets = [0, 0], sizes = [64, 32], strides = [1, 1]} : vector<64x256xbf16> to vector<64x32xbf16>
    %slice3A_430 = vector.extract_strided_slice %convert_element_type3A_428 {offsets = [0, 0], sizes = [64, 32], strides = [1, 1]} : vector<64x256xbf16> to vector<64x32xbf16>
    %dot_general3A_431 = arith.constant dense<0.000000e+00> : vector<64x64xf32>
    %dot_general3A_432 = tpu.matmul %slice3A_429, %slice3A_430, %dot_general3A_431 {dimension_numbers = #tpu.dot_dimension_numbers<[1], [1], [0], [0], [0, 0, 1, 0], [], []>, transpose_lhs_hint = false} : vector<64x32xbf16>, vector<64x32xbf16>, vector<64x64xf32> -> vector<64x64xf32>
    %swap3A_433 = arith.constant 2048 : index
    %swap3A_434 = arith.constant 0 : index
    %swap3A_435 = vector.load %arg4[%swap3A_433, %swap3A_434] : memref<4096x64xf32, #tpu.memory_space<vmem>>, vector<64x64xf32>
    tpu.vector_store %arg4[%swap3A_433, %swap3A_434], %dot_general3A_432 {strides = array<i32>} : memref<4096x64xf32, #tpu.memory_space<vmem>>, vector<64x64xf32>,
    %slice3A_436 = vector.extract_strided_slice %convert_element_type3A_417 {offsets = [0, 32], sizes = [64, 32], strides = [1, 1]} : vector<64x256xbf16> to vector<64x32xbf16>
    %slice3A_437 = vector.extract_strided_slice %convert_element_type3A_428 {offsets = [0, 32], sizes = [64, 32], strides = [1, 1]} : vector<64x256xbf16> to vector<64x32xbf16>
    %dot_general3A_438 = arith.constant dense<0.000000e+00> : vector<64x64xf32>
    %dot_general3A_439 = tpu.matmul %slice3A_436, %slice3A_437, %dot_general3A_438 {dimension_numbers = #tpu.dot_dimension_numbers<[1], [1], [0], [0], [0, 0, 1, 0], [], []>, transpose_lhs_hint = false} : vector<64x32xbf16>, vector<64x32xbf16>, vector<64x64xf32> -> vector<64x64xf32>
    %swap3A_440 = arith.constant 2112 : index
    %swap3A_441 = arith.constant 0 : index
    %swap3A_442 = vector.load %arg4[%swap3A_440, %swap3A_441] : memref<4096x64xf32, #tpu.memory_space<vmem>>, vector<64x64xf32>
    tpu.vector_store %arg4[%swap3A_440, %swap3A_441], %dot_general3A_439 {strides = array<i32>} : memref<4096x64xf32, #tpu.memory_space<vmem>>, vector<64x64xf32>,
    %slice3A_443 = vector.extract_strided_slice %convert_element_type3A_417 {offsets = [0, 64], sizes = [64, 32], strides = [1, 1]} : vector<64x256xbf16> to vector<64x32xbf16>
    %slice3A_444 = vector.extract_strided_slice %convert_element_type3A_428 {offsets = [0, 64], sizes = [64, 32], strides = [1, 1]} : vector<64x256xbf16> to vector<64x32xbf16>
    %dot_general3A_445 = arith.constant dense<0.000000e+00> : vector<64x64xf32>
    %dot_general3A_446 = tpu.matmul %slice3A_443, %slice3A_444, %dot_general3A_445 {dimension_numbers = #tpu.dot_dimension_numbers<[1], [1], [0], [0], [0, 0, 1, 0], [], []>, transpose_lhs_hint = false} : vector<64x32xbf16>, vector<64x32xbf16>, vector<64x64xf32> -> vector<64x64xf32>
    %swap3A_447 = arith.constant 2176 : index
    %swap3A_448 = arith.constant 0 : index
    %swap3A_449 = vector.load %arg4[%swap3A_447, %swap3A_448] : memref<4096x64xf32, #tpu.memory_space<vmem>>, vector<64x64xf32>
    tpu.vector_store %arg4[%swap3A_447, %swap3A_448], %dot_general3A_446 {strides = array<i32>} : memref<4096x64xf32, #tpu.memory_space<vmem>>, vector<64x64xf32>,
    %slice3A_450 = vector.extract_strided_slice %convert_element_type3A_417 {offsets = [0, 96], sizes = [64, 32], strides = [1, 1]} : vector<64x256xbf16> to vector<64x32xbf16>
    %slice3A_451 = vector.extract_strided_slice %convert_element_type3A_428 {offsets = [0, 96], sizes = [64, 32], strides = [1, 1]} : vector<64x256xbf16> to vector<64x32xbf16>
    %dot_general3A_452 = arith.constant dense<0.000000e+00> : vector<64x64xf32>
    %dot_general3A_453 = tpu.matmul %slice3A_450, %slice3A_451, %dot_general3A_452 {dimension_numbers = #tpu.dot_dimension_numbers<[1], [1], [0], [0], [0, 0, 1, 0], [], []>, transpose_lhs_hint = false} : vector<64x32xbf16>, vector<64x32xbf16>, vector<64x64xf32> -> vector<64x64xf32>
    %swap3A_454 = arith.constant 2240 : index
    %swap3A_455 = arith.constant 0 : index
    %swap3A_456 = vector.load %arg4[%swap3A_454, %swap3A_455] : memref<4096x64xf32, #tpu.memory_space<vmem>>, vector<64x64xf32>
    tpu.vector_store %arg4[%swap3A_454, %swap3A_455], %dot_general3A_453 {strides = array<i32>} : memref<4096x64xf32, #tpu.memory_space<vmem>>, vector<64x64xf32>,
    %slice3A_457 = vector.extract_strided_slice %convert_element_type3A_417 {offsets = [0, 128], sizes = [64, 32], strides = [1, 1]} : vector<64x256xbf16> to vector<64x32xbf16>
    %slice3A_458 = vector.extract_strided_slice %convert_element_type3A_428 {offsets = [0, 128], sizes = [64, 32], strides = [1, 1]} : vector<64x256xbf16> to vector<64x32xbf16>
    %dot_general3A_459 = arith.constant dense<0.000000e+00> : vector<64x64xf32>
    %dot_general3A_460 = tpu.matmul %slice3A_457, %slice3A_458, %dot_general3A_459 {dimension_numbers = #tpu.dot_dimension_numbers<[1], [1], [0], [0], [0, 0, 1, 0], [], []>, transpose_lhs_hint = false} : vector<64x32xbf16>, vector<64x32xbf16>, vector<64x64xf32> -> vector<64x64xf32>
    %swap3A_461 = arith.constant 2304 : index
    %swap3A_462 = arith.constant 0 : index
    %swap3A_463 = vector.load %arg4[%swap3A_461, %swap3A_462] : memref<4096x64xf32, #tpu.memory_space<vmem>>, vector<64x64xf32>
    tpu.vector_store %arg4[%swap3A_461, %swap3A_462], %dot_general3A_460 {strides = array<i32>} : memref<4096x64xf32, #tpu.memory_space<vmem>>, vector<64x64xf32>,
    %slice3A_464 = vector.extract_strided_slice %convert_element_type3A_417 {offsets = [0, 160], sizes = [64, 32], strides = [1, 1]} : vector<64x256xbf16> to vector<64x32xbf16>
    %slice3A_465 = vector.extract_strided_slice %convert_element_type3A_428 {offsets = [0, 160], sizes = [64, 32], strides = [1, 1]} : vector<64x256xbf16> to vector<64x32xbf16>
    %dot_general3A_466 = arith.constant dense<0.000000e+00> : vector<64x64xf32>
    %dot_general3A_467 = tpu.matmul %slice3A_464, %slice3A_465, %dot_general3A_466 {dimension_numbers = #tpu.dot_dimension_numbers<[1], [1], [0], [0], [0, 0, 1, 0], [], []>, transpose_lhs_hint = false} : vector<64x32xbf16>, vector<64x32xbf16>, vector<64x64xf32> -> vector<64x64xf32>
    %swap3A_468 = arith.constant 2368 : index
    %swap3A_469 = arith.constant 0 : index
    %swap3A_470 = vector.load %arg4[%swap3A_468, %swap3A_469] : memref<4096x64xf32, #tpu.memory_space<vmem>>, vector<64x64xf32>
    tpu.vector_store %arg4[%swap3A_468, %swap3A_469], %dot_general3A_467 {strides = array<i32>} : memref<4096x64xf32, #tpu.memory_space<vmem>>, vector<64x64xf32>,
    %slice3A_471 = vector.extract_strided_slice %convert_element_type3A_417 {offsets = [0, 192], sizes = [64, 32], strides = [1, 1]} : vector<64x256xbf16> to vector<64x32xbf16>
    %slice3A_472 = vector.extract_strided_slice %convert_element_type3A_428 {offsets = [0, 192], sizes = [64, 32], strides = [1, 1]} : vector<64x256xbf16> to vector<64x32xbf16>
    %dot_general3A_473 = arith.constant dense<0.000000e+00> : vector<64x64xf32>
    %dot_general3A_474 = tpu.matmul %slice3A_471, %slice3A_472, %dot_general3A_473 {dimension_numbers = #tpu.dot_dimension_numbers<[1], [1], [0], [0], [0, 0, 1, 0], [], []>, transpose_lhs_hint = false} : vector<64x32xbf16>, vector<64x32xbf16>, vector<64x64xf32> -> vector<64x64xf32>
    %swap3A_475 = arith.constant 2432 : index
    %swap3A_476 = arith.constant 0 : index
    %swap3A_477 = vector.load %arg4[%swap3A_475, %swap3A_476] : memref<4096x64xf32, #tpu.memory_space<vmem>>, vector<64x64xf32>
    tpu.vector_store %arg4[%swap3A_475, %swap3A_476], %dot_general3A_474 {strides = array<i32>} : memref<4096x64xf32, #tpu.memory_space<vmem>>, vector<64x64xf32>,
    %slice3A_478 = vector.extract_strided_slice %convert_element_type3A_417 {offsets = [0, 224], sizes = [64, 32], strides = [1, 1]} : vector<64x256xbf16> to vector<64x32xbf16>
    %slice3A_479 = vector.extract_strided_slice %convert_element_type3A_428 {offsets = [0, 224], sizes = [64, 32], strides = [1, 1]} : vector<64x256xbf16> to vector<64x32xbf16>
    %dot_general3A_480 = arith.constant dense<0.000000e+00> : vector<64x64xf32>
    %dot_general3A_481 = tpu.matmul %slice3A_478, %slice3A_479, %dot_general3A_480 {dimension_numbers = #tpu.dot_dimension_numbers<[1], [1], [0], [0], [0, 0, 1, 0], [], []>, transpose_lhs_hint = false} : vector<64x32xbf16>, vector<64x32xbf16>, vector<64x64xf32> -> vector<64x64xf32>
    %swap3A_482 = arith.constant 2496 : index
    %swap3A_483 = arith.constant 0 : index
    %swap3A_484 = vector.load %arg4[%swap3A_482, %swap3A_483] : memref<4096x64xf32, #tpu.memory_space<vmem>>, vector<64x64xf32>
    tpu.vector_store %arg4[%swap3A_482, %swap3A_483], %dot_general3A_481 {strides = array<i32>} : memref<4096x64xf32, #tpu.memory_space<vmem>>, vector<64x64xf32>,
    %get3A_485 = arith.constant 5 : index
    %get3A_486 = arith.constant 0 : index
    %get3A_487 = arith.constant 0 : index
    %get3A_488 = vector.load %arg1[%get3A_485, %get3A_486, %get3A_487] : memref<8x1x256xf32, #tpu.memory_space<vmem>>, vector<1x1x256xf32>
    %get3A_489 = vector.shape_cast %get3A_488 : vector<1x1x256xf32> to vector<1x256xf32>
    %get3A_490 = arith.constant 5 : index
    %get3A_491 = arith.constant 0 : index
    %get3A_492 = arith.constant 0 : index
    %get3A_493 = vector.load %arg2[%get3A_490, %get3A_491, %get3A_492] : memref<8x1x256xf32, #tpu.memory_space<vmem>>, vector<1x1x256xf32>
    %get3A_494 = vector.shape_cast %get3A_493 : vector<1x1x256xf32> to vector<1x256xf32>
    %get3A_495 = arith.constant 5 : index
    %get3A_496 = arith.constant 0 : index
    %get3A_497 = arith.constant 0 : index
    %get3A_498 = vector.load %arg3[%get3A_495, %get3A_496, %get3A_497] : memref<8x1x256xf32, #tpu.memory_space<vmem>>, vector<1x1x256xf32>
    %get3A_499 = vector.shape_cast %get3A_498 : vector<1x1x256xf32> to vector<1x256xf32>
    %jit3A_500 = arith.constant 0.000000e+00 : f32
    %broadcast_in_dim3A_501 = vector.broadcast %jit3A_500 : f32 to vector<1x256xf32>
    %select_n3A_502 = arith.select %lt3A_22, %get3A_499, %broadcast_in_dim3A_501 : vector<1x256xi1>, vector<1x256xf32>
    %sub3A_503 = vector.broadcast %add3A_3 : vector<64x1xf32> to vector<64x256xf32>
    %sub3A_504 = vector.broadcast %get3A_489 : vector<1x256xf32> to vector<64x256xf32>
    %sub3A_505 = arith.subf %sub3A_503, %sub3A_504 : vector<64x256xf32>
    %integer_pow3A_506 = arith.mulf %sub3A_505, %sub3A_505 : vector<64x256xf32>
    %mul3A_507 = arith.constant -5.000000e-01 : f32
    %mul3A_508 = vector.broadcast %mul3A_507 : f32 to vector<64x256xf32>
    %mul3A_509 = arith.mulf %mul3A_508, %integer_pow3A_506 : vector<64x256xf32>
    %exp3A_510 = math.exp %mul3A_509 : vector<64x256xf32>
    %convert_element_type3A_511 = arith.truncf %exp3A_510 : vector<64x256xf32> to vector<64x256xbf16>
    %sub3A_512 = vector.broadcast %add3A_3 : vector<64x1xf32> to vector<64x256xf32>
    %sub3A_513 = vector.broadcast %get3A_494 : vector<1x256xf32> to vector<64x256xf32>
    %sub3A_514 = arith.subf %sub3A_512, %sub3A_513 : vector<64x256xf32>
    %integer_pow3A_515 = arith.mulf %sub3A_514, %sub3A_514 : vector<64x256xf32>
    %mul3A_516 = arith.constant -5.000000e-01 : f32
    %mul3A_517 = vector.broadcast %mul3A_516 : f32 to vector<64x256xf32>
    %mul3A_518 = arith.mulf %mul3A_517, %integer_pow3A_515 : vector<64x256xf32>
    %exp3A_519 = math.exp %mul3A_518 : vector<64x256xf32>
    %mul3A_520 = vector.broadcast %select_n3A_502 : vector<1x256xf32> to vector<64x256xf32>
    %mul3A_521 = arith.mulf %exp3A_519, %mul3A_520 : vector<64x256xf32>
    %convert_element_type3A_522 = arith.truncf %mul3A_521 : vector<64x256xf32> to vector<64x256xbf16>
    %slice3A_523 = vector.extract_strided_slice %convert_element_type3A_511 {offsets = [0, 0], sizes = [64, 32], strides = [1, 1]} : vector<64x256xbf16> to vector<64x32xbf16>
    %slice3A_524 = vector.extract_strided_slice %convert_element_type3A_522 {offsets = [0, 0], sizes = [64, 32], strides = [1, 1]} : vector<64x256xbf16> to vector<64x32xbf16>
    %dot_general3A_525 = arith.constant dense<0.000000e+00> : vector<64x64xf32>
    %dot_general3A_526 = tpu.matmul %slice3A_523, %slice3A_524, %dot_general3A_525 {dimension_numbers = #tpu.dot_dimension_numbers<[1], [1], [0], [0], [0, 0, 1, 0], [], []>, transpose_lhs_hint = false} : vector<64x32xbf16>, vector<64x32xbf16>, vector<64x64xf32> -> vector<64x64xf32>
    %swap3A_527 = arith.constant 2560 : index
    %swap3A_528 = arith.constant 0 : index
    %swap3A_529 = vector.load %arg4[%swap3A_527, %swap3A_528] : memref<4096x64xf32, #tpu.memory_space<vmem>>, vector<64x64xf32>
    tpu.vector_store %arg4[%swap3A_527, %swap3A_528], %dot_general3A_526 {strides = array<i32>} : memref<4096x64xf32, #tpu.memory_space<vmem>>, vector<64x64xf32>,
    %slice3A_530 = vector.extract_strided_slice %convert_element_type3A_511 {offsets = [0, 32], sizes = [64, 32], strides = [1, 1]} : vector<64x256xbf16> to vector<64x32xbf16>
    %slice3A_531 = vector.extract_strided_slice %convert_element_type3A_522 {offsets = [0, 32], sizes = [64, 32], strides = [1, 1]} : vector<64x256xbf16> to vector<64x32xbf16>
    %dot_general3A_532 = arith.constant dense<0.000000e+00> : vector<64x64xf32>
    %dot_general3A_533 = tpu.matmul %slice3A_530, %slice3A_531, %dot_general3A_532 {dimension_numbers = #tpu.dot_dimension_numbers<[1], [1], [0], [0], [0, 0, 1, 0], [], []>, transpose_lhs_hint = false} : vector<64x32xbf16>, vector<64x32xbf16>, vector<64x64xf32> -> vector<64x64xf32>
    %swap3A_534 = arith.constant 2624 : index
    %swap3A_535 = arith.constant 0 : index
    %swap3A_536 = vector.load %arg4[%swap3A_534, %swap3A_535] : memref<4096x64xf32, #tpu.memory_space<vmem>>, vector<64x64xf32>
    tpu.vector_store %arg4[%swap3A_534, %swap3A_535], %dot_general3A_533 {strides = array<i32>} : memref<4096x64xf32, #tpu.memory_space<vmem>>, vector<64x64xf32>,
    %slice3A_537 = vector.extract_strided_slice %convert_element_type3A_511 {offsets = [0, 64], sizes = [64, 32], strides = [1, 1]} : vector<64x256xbf16> to vector<64x32xbf16>
    %slice3A_538 = vector.extract_strided_slice %convert_element_type3A_522 {offsets = [0, 64], sizes = [64, 32], strides = [1, 1]} : vector<64x256xbf16> to vector<64x32xbf16>
    %dot_general3A_539 = arith.constant dense<0.000000e+00> : vector<64x64xf32>
    %dot_general3A_540 = tpu.matmul %slice3A_537, %slice3A_538, %dot_general3A_539 {dimension_numbers = #tpu.dot_dimension_numbers<[1], [1], [0], [0], [0, 0, 1, 0], [], []>, transpose_lhs_hint = false} : vector<64x32xbf16>, vector<64x32xbf16>, vector<64x64xf32> -> vector<64x64xf32>
    %swap3A_541 = arith.constant 2688 : index
    %swap3A_542 = arith.constant 0 : index
    %swap3A_543 = vector.load %arg4[%swap3A_541, %swap3A_542] : memref<4096x64xf32, #tpu.memory_space<vmem>>, vector<64x64xf32>
    tpu.vector_store %arg4[%swap3A_541, %swap3A_542], %dot_general3A_540 {strides = array<i32>} : memref<4096x64xf32, #tpu.memory_space<vmem>>, vector<64x64xf32>,
    %slice3A_544 = vector.extract_strided_slice %convert_element_type3A_511 {offsets = [0, 96], sizes = [64, 32], strides = [1, 1]} : vector<64x256xbf16> to vector<64x32xbf16>
    %slice3A_545 = vector.extract_strided_slice %convert_element_type3A_522 {offsets = [0, 96], sizes = [64, 32], strides = [1, 1]} : vector<64x256xbf16> to vector<64x32xbf16>
    %dot_general3A_546 = arith.constant dense<0.000000e+00> : vector<64x64xf32>
    %dot_general3A_547 = tpu.matmul %slice3A_544, %slice3A_545, %dot_general3A_546 {dimension_numbers = #tpu.dot_dimension_numbers<[1], [1], [0], [0], [0, 0, 1, 0], [], []>, transpose_lhs_hint = false} : vector<64x32xbf16>, vector<64x32xbf16>, vector<64x64xf32> -> vector<64x64xf32>
    %swap3A_548 = arith.constant 2752 : index
    %swap3A_549 = arith.constant 0 : index
    %swap3A_550 = vector.load %arg4[%swap3A_548, %swap3A_549] : memref<4096x64xf32, #tpu.memory_space<vmem>>, vector<64x64xf32>
    tpu.vector_store %arg4[%swap3A_548, %swap3A_549], %dot_general3A_547 {strides = array<i32>} : memref<4096x64xf32, #tpu.memory_space<vmem>>, vector<64x64xf32>,
    %slice3A_551 = vector.extract_strided_slice %convert_element_type3A_511 {offsets = [0, 128], sizes = [64, 32], strides = [1, 1]} : vector<64x256xbf16> to vector<64x32xbf16>
    %slice3A_552 = vector.extract_strided_slice %convert_element_type3A_522 {offsets = [0, 128], sizes = [64, 32], strides = [1, 1]} : vector<64x256xbf16> to vector<64x32xbf16>
    %dot_general3A_553 = arith.constant dense<0.000000e+00> : vector<64x64xf32>
    %dot_general3A_554 = tpu.matmul %slice3A_551, %slice3A_552, %dot_general3A_553 {dimension_numbers = #tpu.dot_dimension_numbers<[1], [1], [0], [0], [0, 0, 1, 0], [], []>, transpose_lhs_hint = false} : vector<64x32xbf16>, vector<64x32xbf16>, vector<64x64xf32> -> vector<64x64xf32>
    %swap3A_555 = arith.constant 2816 : index
    %swap3A_556 = arith.constant 0 : index
    %swap3A_557 = vector.load %arg4[%swap3A_555, %swap3A_556] : memref<4096x64xf32, #tpu.memory_space<vmem>>, vector<64x64xf32>
    tpu.vector_store %arg4[%swap3A_555, %swap3A_556], %dot_general3A_554 {strides = array<i32>} : memref<4096x64xf32, #tpu.memory_space<vmem>>, vector<64x64xf32>,
    %slice3A_558 = vector.extract_strided_slice %convert_element_type3A_511 {offsets = [0, 160], sizes = [64, 32], strides = [1, 1]} : vector<64x256xbf16> to vector<64x32xbf16>
    %slice3A_559 = vector.extract_strided_slice %convert_element_type3A_522 {offsets = [0, 160], sizes = [64, 32], strides = [1, 1]} : vector<64x256xbf16> to vector<64x32xbf16>
    %dot_general3A_560 = arith.constant dense<0.000000e+00> : vector<64x64xf32>
    %dot_general3A_561 = tpu.matmul %slice3A_558, %slice3A_559, %dot_general3A_560 {dimension_numbers = #tpu.dot_dimension_numbers<[1], [1], [0], [0], [0, 0, 1, 0], [], []>, transpose_lhs_hint = false} : vector<64x32xbf16>, vector<64x32xbf16>, vector<64x64xf32> -> vector<64x64xf32>
    %swap3A_562 = arith.constant 2880 : index
    %swap3A_563 = arith.constant 0 : index
    %swap3A_564 = vector.load %arg4[%swap3A_562, %swap3A_563] : memref<4096x64xf32, #tpu.memory_space<vmem>>, vector<64x64xf32>
    tpu.vector_store %arg4[%swap3A_562, %swap3A_563], %dot_general3A_561 {strides = array<i32>} : memref<4096x64xf32, #tpu.memory_space<vmem>>, vector<64x64xf32>,
    %slice3A_565 = vector.extract_strided_slice %convert_element_type3A_511 {offsets = [0, 192], sizes = [64, 32], strides = [1, 1]} : vector<64x256xbf16> to vector<64x32xbf16>
    %slice3A_566 = vector.extract_strided_slice %convert_element_type3A_522 {offsets = [0, 192], sizes = [64, 32], strides = [1, 1]} : vector<64x256xbf16> to vector<64x32xbf16>
    %dot_general3A_567 = arith.constant dense<0.000000e+00> : vector<64x64xf32>
    %dot_general3A_568 = tpu.matmul %slice3A_565, %slice3A_566, %dot_general3A_567 {dimension_numbers = #tpu.dot_dimension_numbers<[1], [1], [0], [0], [0, 0, 1, 0], [], []>, transpose_lhs_hint = false} : vector<64x32xbf16>, vector<64x32xbf16>, vector<64x64xf32> -> vector<64x64xf32>
    %swap3A_569 = arith.constant 2944 : index
    %swap3A_570 = arith.constant 0 : index
    %swap3A_571 = vector.load %arg4[%swap3A_569, %swap3A_570] : memref<4096x64xf32, #tpu.memory_space<vmem>>, vector<64x64xf32>
    tpu.vector_store %arg4[%swap3A_569, %swap3A_570], %dot_general3A_568 {strides = array<i32>} : memref<4096x64xf32, #tpu.memory_space<vmem>>, vector<64x64xf32>,
    %slice3A_572 = vector.extract_strided_slice %convert_element_type3A_511 {offsets = [0, 224], sizes = [64, 32], strides = [1, 1]} : vector<64x256xbf16> to vector<64x32xbf16>
    %slice3A_573 = vector.extract_strided_slice %convert_element_type3A_522 {offsets = [0, 224], sizes = [64, 32], strides = [1, 1]} : vector<64x256xbf16> to vector<64x32xbf16>
    %dot_general3A_574 = arith.constant dense<0.000000e+00> : vector<64x64xf32>
    %dot_general3A_575 = tpu.matmul %slice3A_572, %slice3A_573, %dot_general3A_574 {dimension_numbers = #tpu.dot_dimension_numbers<[1], [1], [0], [0], [0, 0, 1, 0], [], []>, transpose_lhs_hint = false} : vector<64x32xbf16>, vector<64x32xbf16>, vector<64x64xf32> -> vector<64x64xf32>
    %swap3A_576 = arith.constant 3008 : index
    %swap3A_577 = arith.constant 0 : index
    %swap3A_578 = vector.load %arg4[%swap3A_576, %swap3A_577] : memref<4096x64xf32, #tpu.memory_space<vmem>>, vector<64x64xf32>
    tpu.vector_store %arg4[%swap3A_576, %swap3A_577], %dot_general3A_575 {strides = array<i32>} : memref<4096x64xf32, #tpu.memory_space<vmem>>, vector<64x64xf32>,
    %get3A_579 = arith.constant 6 : index
    %get3A_580 = arith.constant 0 : index
    %get3A_581 = arith.constant 0 : index
    %get3A_582 = vector.load %arg1[%get3A_579, %get3A_580, %get3A_581] : memref<8x1x256xf32, #tpu.memory_space<vmem>>, vector<1x1x256xf32>
    %get3A_583 = vector.shape_cast %get3A_582 : vector<1x1x256xf32> to vector<1x256xf32>
    %get3A_584 = arith.constant 6 : index
    %get3A_585 = arith.constant 0 : index
    %get3A_586 = arith.constant 0 : index
    %get3A_587 = vector.load %arg2[%get3A_584, %get3A_585, %get3A_586] : memref<8x1x256xf32, #tpu.memory_space<vmem>>, vector<1x1x256xf32>
    %get3A_588 = vector.shape_cast %get3A_587 : vector<1x1x256xf32> to vector<1x256xf32>
    %get3A_589 = arith.constant 6 : index
    %get3A_590 = arith.constant 0 : index
    %get3A_591 = arith.constant 0 : index
    %get3A_592 = vector.load %arg3[%get3A_589, %get3A_590, %get3A_591] : memref<8x1x256xf32, #tpu.memory_space<vmem>>, vector<1x1x256xf32>
    %get3A_593 = vector.shape_cast %get3A_592 : vector<1x1x256xf32> to vector<1x256xf32>
    %jit3A_594 = arith.constant 0.000000e+00 : f32
    %broadcast_in_dim3A_595 = vector.broadcast %jit3A_594 : f32 to vector<1x256xf32>
    %select_n3A_596 = arith.select %lt3A_22, %get3A_593, %broadcast_in_dim3A_595 : vector<1x256xi1>, vector<1x256xf32>
    %sub3A_597 = vector.broadcast %add3A_3 : vector<64x1xf32> to vector<64x256xf32>
    %sub3A_598 = vector.broadcast %get3A_583 : vector<1x256xf32> to vector<64x256xf32>
    %sub3A_599 = arith.subf %sub3A_597, %sub3A_598 : vector<64x256xf32>
    %integer_pow3A_600 = arith.mulf %sub3A_599, %sub3A_599 : vector<64x256xf32>
    %mul3A_601 = arith.constant -5.000000e-01 : f32
    %mul3A_602 = vector.broadcast %mul3A_601 : f32 to vector<64x256xf32>
    %mul3A_603 = arith.mulf %mul3A_602, %integer_pow3A_600 : vector<64x256xf32>
    %exp3A_604 = math.exp %mul3A_603 : vector<64x256xf32>
    %convert_element_type3A_605 = arith.truncf %exp3A_604 : vector<64x256xf32> to vector<64x256xbf16>
    %sub3A_606 = vector.broadcast %add3A_3 : vector<64x1xf32> to vector<64x256xf32>
    %sub3A_607 = vector.broadcast %get3A_588 : vector<1x256xf32> to vector<64x256xf32>
    %sub3A_608 = arith.subf %sub3A_606, %sub3A_607 : vector<64x256xf32>
    %integer_pow3A_609 = arith.mulf %sub3A_608, %sub3A_608 : vector<64x256xf32>
    %mul3A_610 = arith.constant -5.000000e-01 : f32
    %mul3A_611 = vector.broadcast %mul3A_610 : f32 to vector<64x256xf32>
    %mul3A_612 = arith.mulf %mul3A_611, %integer_pow3A_609 : vector<64x256xf32>
    %exp3A_613 = math.exp %mul3A_612 : vector<64x256xf32>
    %mul3A_614 = vector.broadcast %select_n3A_596 : vector<1x256xf32> to vector<64x256xf32>
    %mul3A_615 = arith.mulf %exp3A_613, %mul3A_614 : vector<64x256xf32>
    %convert_element_type3A_616 = arith.truncf %mul3A_615 : vector<64x256xf32> to vector<64x256xbf16>
    %slice3A_617 = vector.extract_strided_slice %convert_element_type3A_605 {offsets = [0, 0], sizes = [64, 32], strides = [1, 1]} : vector<64x256xbf16> to vector<64x32xbf16>
    %slice3A_618 = vector.extract_strided_slice %convert_element_type3A_616 {offsets = [0, 0], sizes = [64, 32], strides = [1, 1]} : vector<64x256xbf16> to vector<64x32xbf16>
    %dot_general3A_619 = arith.constant dense<0.000000e+00> : vector<64x64xf32>
    %dot_general3A_620 = tpu.matmul %slice3A_617, %slice3A_618, %dot_general3A_619 {dimension_numbers = #tpu.dot_dimension_numbers<[1], [1], [0], [0], [0, 0, 1, 0], [], []>, transpose_lhs_hint = false} : vector<64x32xbf16>, vector<64x32xbf16>, vector<64x64xf32> -> vector<64x64xf32>
    %swap3A_621 = arith.constant 3072 : index
    %swap3A_622 = arith.constant 0 : index
    %swap3A_623 = vector.load %arg4[%swap3A_621, %swap3A_622] : memref<4096x64xf32, #tpu.memory_space<vmem>>, vector<64x64xf32>
    tpu.vector_store %arg4[%swap3A_621, %swap3A_622], %dot_general3A_620 {strides = array<i32>} : memref<4096x64xf32, #tpu.memory_space<vmem>>, vector<64x64xf32>,
    %slice3A_624 = vector.extract_strided_slice %convert_element_type3A_605 {offsets = [0, 32], sizes = [64, 32], strides = [1, 1]} : vector<64x256xbf16> to vector<64x32xbf16>
    %slice3A_625 = vector.extract_strided_slice %convert_element_type3A_616 {offsets = [0, 32], sizes = [64, 32], strides = [1, 1]} : vector<64x256xbf16> to vector<64x32xbf16>
    %dot_general3A_626 = arith.constant dense<0.000000e+00> : vector<64x64xf32>
    %dot_general3A_627 = tpu.matmul %slice3A_624, %slice3A_625, %dot_general3A_626 {dimension_numbers = #tpu.dot_dimension_numbers<[1], [1], [0], [0], [0, 0, 1, 0], [], []>, transpose_lhs_hint = false} : vector<64x32xbf16>, vector<64x32xbf16>, vector<64x64xf32> -> vector<64x64xf32>
    %swap3A_628 = arith.constant 3136 : index
    %swap3A_629 = arith.constant 0 : index
    %swap3A_630 = vector.load %arg4[%swap3A_628, %swap3A_629] : memref<4096x64xf32, #tpu.memory_space<vmem>>, vector<64x64xf32>
    tpu.vector_store %arg4[%swap3A_628, %swap3A_629], %dot_general3A_627 {strides = array<i32>} : memref<4096x64xf32, #tpu.memory_space<vmem>>, vector<64x64xf32>,
    %slice3A_631 = vector.extract_strided_slice %convert_element_type3A_605 {offsets = [0, 64], sizes = [64, 32], strides = [1, 1]} : vector<64x256xbf16> to vector<64x32xbf16>
    %slice3A_632 = vector.extract_strided_slice %convert_element_type3A_616 {offsets = [0, 64], sizes = [64, 32], strides = [1, 1]} : vector<64x256xbf16> to vector<64x32xbf16>
    %dot_general3A_633 = arith.constant dense<0.000000e+00> : vector<64x64xf32>
    %dot_general3A_634 = tpu.matmul %slice3A_631, %slice3A_632, %dot_general3A_633 {dimension_numbers = #tpu.dot_dimension_numbers<[1], [1], [0], [0], [0, 0, 1, 0], [], []>, transpose_lhs_hint = false} : vector<64x32xbf16>, vector<64x32xbf16>, vector<64x64xf32> -> vector<64x64xf32>
    %swap3A_635 = arith.constant 3200 : index
    %swap3A_636 = arith.constant 0 : index
    %swap3A_637 = vector.load %arg4[%swap3A_635, %swap3A_636] : memref<4096x64xf32, #tpu.memory_space<vmem>>, vector<64x64xf32>
    tpu.vector_store %arg4[%swap3A_635, %swap3A_636], %dot_general3A_634 {strides = array<i32>} : memref<4096x64xf32, #tpu.memory_space<vmem>>, vector<64x64xf32>,
    %slice3A_638 = vector.extract_strided_slice %convert_element_type3A_605 {offsets = [0, 96], sizes = [64, 32], strides = [1, 1]} : vector<64x256xbf16> to vector<64x32xbf16>
    %slice3A_639 = vector.extract_strided_slice %convert_element_type3A_616 {offsets = [0, 96], sizes = [64, 32], strides = [1, 1]} : vector<64x256xbf16> to vector<64x32xbf16>
    %dot_general3A_640 = arith.constant dense<0.000000e+00> : vector<64x64xf32>
    %dot_general3A_641 = tpu.matmul %slice3A_638, %slice3A_639, %dot_general3A_640 {dimension_numbers = #tpu.dot_dimension_numbers<[1], [1], [0], [0], [0, 0, 1, 0], [], []>, transpose_lhs_hint = false} : vector<64x32xbf16>, vector<64x32xbf16>, vector<64x64xf32> -> vector<64x64xf32>
    %swap3A_642 = arith.constant 3264 : index
    %swap3A_643 = arith.constant 0 : index
    %swap3A_644 = vector.load %arg4[%swap3A_642, %swap3A_643] : memref<4096x64xf32, #tpu.memory_space<vmem>>, vector<64x64xf32>
    tpu.vector_store %arg4[%swap3A_642, %swap3A_643], %dot_general3A_641 {strides = array<i32>} : memref<4096x64xf32, #tpu.memory_space<vmem>>, vector<64x64xf32>,
    %slice3A_645 = vector.extract_strided_slice %convert_element_type3A_605 {offsets = [0, 128], sizes = [64, 32], strides = [1, 1]} : vector<64x256xbf16> to vector<64x32xbf16>
    %slice3A_646 = vector.extract_strided_slice %convert_element_type3A_616 {offsets = [0, 128], sizes = [64, 32], strides = [1, 1]} : vector<64x256xbf16> to vector<64x32xbf16>
    %dot_general3A_647 = arith.constant dense<0.000000e+00> : vector<64x64xf32>
    %dot_general3A_648 = tpu.matmul %slice3A_645, %slice3A_646, %dot_general3A_647 {dimension_numbers = #tpu.dot_dimension_numbers<[1], [1], [0], [0], [0, 0, 1, 0], [], []>, transpose_lhs_hint = false} : vector<64x32xbf16>, vector<64x32xbf16>, vector<64x64xf32> -> vector<64x64xf32>
    %swap3A_649 = arith.constant 3328 : index
    %swap3A_650 = arith.constant 0 : index
    %swap3A_651 = vector.load %arg4[%swap3A_649, %swap3A_650] : memref<4096x64xf32, #tpu.memory_space<vmem>>, vector<64x64xf32>
    tpu.vector_store %arg4[%swap3A_649, %swap3A_650], %dot_general3A_648 {strides = array<i32>} : memref<4096x64xf32, #tpu.memory_space<vmem>>, vector<64x64xf32>,
    %slice3A_652 = vector.extract_strided_slice %convert_element_type3A_605 {offsets = [0, 160], sizes = [64, 32], strides = [1, 1]} : vector<64x256xbf16> to vector<64x32xbf16>
    %slice3A_653 = vector.extract_strided_slice %convert_element_type3A_616 {offsets = [0, 160], sizes = [64, 32], strides = [1, 1]} : vector<64x256xbf16> to vector<64x32xbf16>
    %dot_general3A_654 = arith.constant dense<0.000000e+00> : vector<64x64xf32>
    %dot_general3A_655 = tpu.matmul %slice3A_652, %slice3A_653, %dot_general3A_654 {dimension_numbers = #tpu.dot_dimension_numbers<[1], [1], [0], [0], [0, 0, 1, 0], [], []>, transpose_lhs_hint = false} : vector<64x32xbf16>, vector<64x32xbf16>, vector<64x64xf32> -> vector<64x64xf32>
    %swap3A_656 = arith.constant 3392 : index
    %swap3A_657 = arith.constant 0 : index
    %swap3A_658 = vector.load %arg4[%swap3A_656, %swap3A_657] : memref<4096x64xf32, #tpu.memory_space<vmem>>, vector<64x64xf32>
    tpu.vector_store %arg4[%swap3A_656, %swap3A_657], %dot_general3A_655 {strides = array<i32>} : memref<4096x64xf32, #tpu.memory_space<vmem>>, vector<64x64xf32>,
    %slice3A_659 = vector.extract_strided_slice %convert_element_type3A_605 {offsets = [0, 192], sizes = [64, 32], strides = [1, 1]} : vector<64x256xbf16> to vector<64x32xbf16>
    %slice3A_660 = vector.extract_strided_slice %convert_element_type3A_616 {offsets = [0, 192], sizes = [64, 32], strides = [1, 1]} : vector<64x256xbf16> to vector<64x32xbf16>
    %dot_general3A_661 = arith.constant dense<0.000000e+00> : vector<64x64xf32>
    %dot_general3A_662 = tpu.matmul %slice3A_659, %slice3A_660, %dot_general3A_661 {dimension_numbers = #tpu.dot_dimension_numbers<[1], [1], [0], [0], [0, 0, 1, 0], [], []>, transpose_lhs_hint = false} : vector<64x32xbf16>, vector<64x32xbf16>, vector<64x64xf32> -> vector<64x64xf32>
    %swap3A_663 = arith.constant 3456 : index
    %swap3A_664 = arith.constant 0 : index
    %swap3A_665 = vector.load %arg4[%swap3A_663, %swap3A_664] : memref<4096x64xf32, #tpu.memory_space<vmem>>, vector<64x64xf32>
    tpu.vector_store %arg4[%swap3A_663, %swap3A_664], %dot_general3A_662 {strides = array<i32>} : memref<4096x64xf32, #tpu.memory_space<vmem>>, vector<64x64xf32>,
    %slice3A_666 = vector.extract_strided_slice %convert_element_type3A_605 {offsets = [0, 224], sizes = [64, 32], strides = [1, 1]} : vector<64x256xbf16> to vector<64x32xbf16>
    %slice3A_667 = vector.extract_strided_slice %convert_element_type3A_616 {offsets = [0, 224], sizes = [64, 32], strides = [1, 1]} : vector<64x256xbf16> to vector<64x32xbf16>
    %dot_general3A_668 = arith.constant dense<0.000000e+00> : vector<64x64xf32>
    %dot_general3A_669 = tpu.matmul %slice3A_666, %slice3A_667, %dot_general3A_668 {dimension_numbers = #tpu.dot_dimension_numbers<[1], [1], [0], [0], [0, 0, 1, 0], [], []>, transpose_lhs_hint = false} : vector<64x32xbf16>, vector<64x32xbf16>, vector<64x64xf32> -> vector<64x64xf32>
    %swap3A_670 = arith.constant 3520 : index
    %swap3A_671 = arith.constant 0 : index
    %swap3A_672 = vector.load %arg4[%swap3A_670, %swap3A_671] : memref<4096x64xf32, #tpu.memory_space<vmem>>, vector<64x64xf32>
    tpu.vector_store %arg4[%swap3A_670, %swap3A_671], %dot_general3A_669 {strides = array<i32>} : memref<4096x64xf32, #tpu.memory_space<vmem>>, vector<64x64xf32>,
    %get3A_673 = arith.constant 7 : index
    %get3A_674 = arith.constant 0 : index
    %get3A_675 = arith.constant 0 : index
    %get3A_676 = vector.load %arg1[%get3A_673, %get3A_674, %get3A_675] : memref<8x1x256xf32, #tpu.memory_space<vmem>>, vector<1x1x256xf32>
    %get3A_677 = vector.shape_cast %get3A_676 : vector<1x1x256xf32> to vector<1x256xf32>
    %get3A_678 = arith.constant 7 : index
    %get3A_679 = arith.constant 0 : index
    %get3A_680 = arith.constant 0 : index
    %get3A_681 = vector.load %arg2[%get3A_678, %get3A_679, %get3A_680] : memref<8x1x256xf32, #tpu.memory_space<vmem>>, vector<1x1x256xf32>
    %get3A_682 = vector.shape_cast %get3A_681 : vector<1x1x256xf32> to vector<1x256xf32>
    %get3A_683 = arith.constant 7 : index
    %get3A_684 = arith.constant 0 : index
    %get3A_685 = arith.constant 0 : index
    %get3A_686 = vector.load %arg3[%get3A_683, %get3A_684, %get3A_685] : memref<8x1x256xf32, #tpu.memory_space<vmem>>, vector<1x1x256xf32>
    %get3A_687 = vector.shape_cast %get3A_686 : vector<1x1x256xf32> to vector<1x256xf32>
    %jit3A_688 = arith.constant 0.000000e+00 : f32
    %broadcast_in_dim3A_689 = vector.broadcast %jit3A_688 : f32 to vector<1x256xf32>
    %select_n3A_690 = arith.select %lt3A_22, %get3A_687, %broadcast_in_dim3A_689 : vector<1x256xi1>, vector<1x256xf32>
    %sub3A_691 = vector.broadcast %add3A_3 : vector<64x1xf32> to vector<64x256xf32>
    %sub3A_692 = vector.broadcast %get3A_677 : vector<1x256xf32> to vector<64x256xf32>
    %sub3A_693 = arith.subf %sub3A_691, %sub3A_692 : vector<64x256xf32>
    %integer_pow3A_694 = arith.mulf %sub3A_693, %sub3A_693 : vector<64x256xf32>
    %mul3A_695 = arith.constant -5.000000e-01 : f32
    %mul3A_696 = vector.broadcast %mul3A_695 : f32 to vector<64x256xf32>
    %mul3A_697 = arith.mulf %mul3A_696, %integer_pow3A_694 : vector<64x256xf32>
    %exp3A_698 = math.exp %mul3A_697 : vector<64x256xf32>
    %convert_element_type3A_699 = arith.truncf %exp3A_698 : vector<64x256xf32> to vector<64x256xbf16>
    %sub3A_700 = vector.broadcast %add3A_3 : vector<64x1xf32> to vector<64x256xf32>
    %sub3A_701 = vector.broadcast %get3A_682 : vector<1x256xf32> to vector<64x256xf32>
    %sub3A_702 = arith.subf %sub3A_700, %sub3A_701 : vector<64x256xf32>
    %integer_pow3A_703 = arith.mulf %sub3A_702, %sub3A_702 : vector<64x256xf32>
    %mul3A_704 = arith.constant -5.000000e-01 : f32
    %mul3A_705 = vector.broadcast %mul3A_704 : f32 to vector<64x256xf32>
    %mul3A_706 = arith.mulf %mul3A_705, %integer_pow3A_703 : vector<64x256xf32>
    %exp3A_707 = math.exp %mul3A_706 : vector<64x256xf32>
    %mul3A_708 = vector.broadcast %select_n3A_690 : vector<1x256xf32> to vector<64x256xf32>
    %mul3A_709 = arith.mulf %exp3A_707, %mul3A_708 : vector<64x256xf32>
    %convert_element_type3A_710 = arith.truncf %mul3A_709 : vector<64x256xf32> to vector<64x256xbf16>
    %slice3A_711 = vector.extract_strided_slice %convert_element_type3A_699 {offsets = [0, 0], sizes = [64, 32], strides = [1, 1]} : vector<64x256xbf16> to vector<64x32xbf16>
    %slice3A_712 = vector.extract_strided_slice %convert_element_type3A_710 {offsets = [0, 0], sizes = [64, 32], strides = [1, 1]} : vector<64x256xbf16> to vector<64x32xbf16>
    %dot_general3A_713 = arith.constant dense<0.000000e+00> : vector<64x64xf32>
    %dot_general3A_714 = tpu.matmul %slice3A_711, %slice3A_712, %dot_general3A_713 {dimension_numbers = #tpu.dot_dimension_numbers<[1], [1], [0], [0], [0, 0, 1, 0], [], []>, transpose_lhs_hint = false} : vector<64x32xbf16>, vector<64x32xbf16>, vector<64x64xf32> -> vector<64x64xf32>
    %swap3A_715 = arith.constant 3584 : index
    %swap3A_716 = arith.constant 0 : index
    %swap3A_717 = vector.load %arg4[%swap3A_715, %swap3A_716] : memref<4096x64xf32, #tpu.memory_space<vmem>>, vector<64x64xf32>
    tpu.vector_store %arg4[%swap3A_715, %swap3A_716], %dot_general3A_714 {strides = array<i32>} : memref<4096x64xf32, #tpu.memory_space<vmem>>, vector<64x64xf32>,
    %slice3A_718 = vector.extract_strided_slice %convert_element_type3A_699 {offsets = [0, 32], sizes = [64, 32], strides = [1, 1]} : vector<64x256xbf16> to vector<64x32xbf16>
    %slice3A_719 = vector.extract_strided_slice %convert_element_type3A_710 {offsets = [0, 32], sizes = [64, 32], strides = [1, 1]} : vector<64x256xbf16> to vector<64x32xbf16>
    %dot_general3A_720 = arith.constant dense<0.000000e+00> : vector<64x64xf32>
    %dot_general3A_721 = tpu.matmul %slice3A_718, %slice3A_719, %dot_general3A_720 {dimension_numbers = #tpu.dot_dimension_numbers<[1], [1], [0], [0], [0, 0, 1, 0], [], []>, transpose_lhs_hint = false} : vector<64x32xbf16>, vector<64x32xbf16>, vector<64x64xf32> -> vector<64x64xf32>
    %swap3A_722 = arith.constant 3648 : index
    %swap3A_723 = arith.constant 0 : index
    %swap3A_724 = vector.load %arg4[%swap3A_722, %swap3A_723] : memref<4096x64xf32, #tpu.memory_space<vmem>>, vector<64x64xf32>
    tpu.vector_store %arg4[%swap3A_722, %swap3A_723], %dot_general3A_721 {strides = array<i32>} : memref<4096x64xf32, #tpu.memory_space<vmem>>, vector<64x64xf32>,
    %slice3A_725 = vector.extract_strided_slice %convert_element_type3A_699 {offsets = [0, 64], sizes = [64, 32], strides = [1, 1]} : vector<64x256xbf16> to vector<64x32xbf16>
    %slice3A_726 = vector.extract_strided_slice %convert_element_type3A_710 {offsets = [0, 64], sizes = [64, 32], strides = [1, 1]} : vector<64x256xbf16> to vector<64x32xbf16>
    %dot_general3A_727 = arith.constant dense<0.000000e+00> : vector<64x64xf32>
    %dot_general3A_728 = tpu.matmul %slice3A_725, %slice3A_726, %dot_general3A_727 {dimension_numbers = #tpu.dot_dimension_numbers<[1], [1], [0], [0], [0, 0, 1, 0], [], []>, transpose_lhs_hint = false} : vector<64x32xbf16>, vector<64x32xbf16>, vector<64x64xf32> -> vector<64x64xf32>
    %swap3A_729 = arith.constant 3712 : index
    %swap3A_730 = arith.constant 0 : index
    %swap3A_731 = vector.load %arg4[%swap3A_729, %swap3A_730] : memref<4096x64xf32, #tpu.memory_space<vmem>>, vector<64x64xf32>
    tpu.vector_store %arg4[%swap3A_729, %swap3A_730], %dot_general3A_728 {strides = array<i32>} : memref<4096x64xf32, #tpu.memory_space<vmem>>, vector<64x64xf32>,
    %slice3A_732 = vector.extract_strided_slice %convert_element_type3A_699 {offsets = [0, 96], sizes = [64, 32], strides = [1, 1]} : vector<64x256xbf16> to vector<64x32xbf16>
    %slice3A_733 = vector.extract_strided_slice %convert_element_type3A_710 {offsets = [0, 96], sizes = [64, 32], strides = [1, 1]} : vector<64x256xbf16> to vector<64x32xbf16>
    %dot_general3A_734 = arith.constant dense<0.000000e+00> : vector<64x64xf32>
    %dot_general3A_735 = tpu.matmul %slice3A_732, %slice3A_733, %dot_general3A_734 {dimension_numbers = #tpu.dot_dimension_numbers<[1], [1], [0], [0], [0, 0, 1, 0], [], []>, transpose_lhs_hint = false} : vector<64x32xbf16>, vector<64x32xbf16>, vector<64x64xf32> -> vector<64x64xf32>
    %swap3A_736 = arith.constant 3776 : index
    %swap3A_737 = arith.constant 0 : index
    %swap3A_738 = vector.load %arg4[%swap3A_736, %swap3A_737] : memref<4096x64xf32, #tpu.memory_space<vmem>>, vector<64x64xf32>
    tpu.vector_store %arg4[%swap3A_736, %swap3A_737], %dot_general3A_735 {strides = array<i32>} : memref<4096x64xf32, #tpu.memory_space<vmem>>, vector<64x64xf32>,
    %slice3A_739 = vector.extract_strided_slice %convert_element_type3A_699 {offsets = [0, 128], sizes = [64, 32], strides = [1, 1]} : vector<64x256xbf16> to vector<64x32xbf16>
    %slice3A_740 = vector.extract_strided_slice %convert_element_type3A_710 {offsets = [0, 128], sizes = [64, 32], strides = [1, 1]} : vector<64x256xbf16> to vector<64x32xbf16>
    %dot_general3A_741 = arith.constant dense<0.000000e+00> : vector<64x64xf32>
    %dot_general3A_742 = tpu.matmul %slice3A_739, %slice3A_740, %dot_general3A_741 {dimension_numbers = #tpu.dot_dimension_numbers<[1], [1], [0], [0], [0, 0, 1, 0], [], []>, transpose_lhs_hint = false} : vector<64x32xbf16>, vector<64x32xbf16>, vector<64x64xf32> -> vector<64x64xf32>
    %swap3A_743 = arith.constant 3840 : index
    %swap3A_744 = arith.constant 0 : index
    %swap3A_745 = vector.load %arg4[%swap3A_743, %swap3A_744] : memref<4096x64xf32, #tpu.memory_space<vmem>>, vector<64x64xf32>
    tpu.vector_store %arg4[%swap3A_743, %swap3A_744], %dot_general3A_742 {strides = array<i32>} : memref<4096x64xf32, #tpu.memory_space<vmem>>, vector<64x64xf32>,
    %slice3A_746 = vector.extract_strided_slice %convert_element_type3A_699 {offsets = [0, 160], sizes = [64, 32], strides = [1, 1]} : vector<64x256xbf16> to vector<64x32xbf16>
    %slice3A_747 = vector.extract_strided_slice %convert_element_type3A_710 {offsets = [0, 160], sizes = [64, 32], strides = [1, 1]} : vector<64x256xbf16> to vector<64x32xbf16>
    %dot_general3A_748 = arith.constant dense<0.000000e+00> : vector<64x64xf32>
    %dot_general3A_749 = tpu.matmul %slice3A_746, %slice3A_747, %dot_general3A_748 {dimension_numbers = #tpu.dot_dimension_numbers<[1], [1], [0], [0], [0, 0, 1, 0], [], []>, transpose_lhs_hint = false} : vector<64x32xbf16>, vector<64x32xbf16>, vector<64x64xf32> -> vector<64x64xf32>
    %swap3A_750 = arith.constant 3904 : index
    %swap3A_751 = arith.constant 0 : index
    %swap3A_752 = vector.load %arg4[%swap3A_750, %swap3A_751] : memref<4096x64xf32, #tpu.memory_space<vmem>>, vector<64x64xf32>
    tpu.vector_store %arg4[%swap3A_750, %swap3A_751], %dot_general3A_749 {strides = array<i32>} : memref<4096x64xf32, #tpu.memory_space<vmem>>, vector<64x64xf32>,
    %slice3A_753 = vector.extract_strided_slice %convert_element_type3A_699 {offsets = [0, 192], sizes = [64, 32], strides = [1, 1]} : vector<64x256xbf16> to vector<64x32xbf16>
    %slice3A_754 = vector.extract_strided_slice %convert_element_type3A_710 {offsets = [0, 192], sizes = [64, 32], strides = [1, 1]} : vector<64x256xbf16> to vector<64x32xbf16>
    %dot_general3A_755 = arith.constant dense<0.000000e+00> : vector<64x64xf32>
    %dot_general3A_756 = tpu.matmul %slice3A_753, %slice3A_754, %dot_general3A_755 {dimension_numbers = #tpu.dot_dimension_numbers<[1], [1], [0], [0], [0, 0, 1, 0], [], []>, transpose_lhs_hint = false} : vector<64x32xbf16>, vector<64x32xbf16>, vector<64x64xf32> -> vector<64x64xf32>
    %swap3A_757 = arith.constant 3968 : index
    %swap3A_758 = arith.constant 0 : index
    %swap3A_759 = vector.load %arg4[%swap3A_757, %swap3A_758] : memref<4096x64xf32, #tpu.memory_space<vmem>>, vector<64x64xf32>
    tpu.vector_store %arg4[%swap3A_757, %swap3A_758], %dot_general3A_756 {strides = array<i32>} : memref<4096x64xf32, #tpu.memory_space<vmem>>, vector<64x64xf32>,
    %slice3A_760 = vector.extract_strided_slice %convert_element_type3A_699 {offsets = [0, 224], sizes = [64, 32], strides = [1, 1]} : vector<64x256xbf16> to vector<64x32xbf16>
    %slice3A_761 = vector.extract_strided_slice %convert_element_type3A_710 {offsets = [0, 224], sizes = [64, 32], strides = [1, 1]} : vector<64x256xbf16> to vector<64x32xbf16>
    %dot_general3A_762 = arith.constant dense<0.000000e+00> : vector<64x64xf32>
    %dot_general3A_763 = tpu.matmul %slice3A_760, %slice3A_761, %dot_general3A_762 {dimension_numbers = #tpu.dot_dimension_numbers<[1], [1], [0], [0], [0, 0, 1, 0], [], []>, transpose_lhs_hint = false} : vector<64x32xbf16>, vector<64x32xbf16>, vector<64x64xf32> -> vector<64x64xf32>
    %swap3A_764 = arith.constant 4032 : index
    %swap3A_765 = arith.constant 0 : index
    %swap3A_766 = vector.load %arg4[%swap3A_764, %swap3A_765] : memref<4096x64xf32, #tpu.memory_space<vmem>>, vector<64x64xf32>
    tpu.vector_store %arg4[%swap3A_764, %swap3A_765], %dot_general3A_763 {strides = array<i32>} : memref<4096x64xf32, #tpu.memory_space<vmem>>, vector<64x64xf32>,
    return
  }
  func.func @transform_0(%arg0: i32) -> (i32, i32, i32) {
    %c0_i32 = arith.constant 0 : i32
    %c0_i32_0 = arith.constant 0 : i32
    %c0_i32_1 = arith.constant 0 : i32
    return %arg0, %c0_i32, %c0_i32_0 : i32, i32, i32
  }
  func.func @transform_1(%arg0: i32) -> (i32, i32, i32) {
    %c0_i32 = arith.constant 0 : i32
    %c0_i32_0 = arith.constant 0 : i32
    %c0_i32_1 = arith.constant 0 : i32
    return %arg0, %c0_i32, %c0_i32_0 : i32, i32, i32
  }
  func.func @transform_2(%arg0: i32) -> (i32, i32, i32) {
    %c0_i32 = arith.constant 0 : i32
    %c0_i32_0 = arith.constant 0 : i32
    %c0_i32_1 = arith.constant 0 : i32
    return %arg0, %c0_i32, %c0_i32_0 : i32, i32, i32
  }
  func.func @transform_3(%arg0: i32) -> (i32, i32) {
    %c0_i32 = arith.constant 0 : i32
    %c0_i32_0 = arith.constant 0 : i32
    return %arg0, %c0_i32 : i32, i32
  }
}

</mosaic_0001>

<sc_bundles>
// kernel: kernel.4.cloned.1.call-start
scs
__scs_entry_jumppad:
0x0: {  	(pc) =	sbr.rel $0x88, $3  }
0x1: {  	(tag) =	ssettag $0x0;
	lr =	simm.s32 $0x1  }
0x2: {  	[smem:$0x3F9E] =	sst lr;
	_ =	strace $0xD0000000  }
0x3: {  	_ = 	snop  }
0x4: {  	_ = 	snop  }
0x5: {  	_ = 	snop  }
0x6: {  	_ = 	snop  }
0x7: {  	_ = 	snop  }
__scs_overlays_trampoline_lowered:
0x8: {  	[smem:$0x3FAD] =	sst s0  }
0x9: {  	[smem:$0x3FAE] =	sst s1  }
0xa: {  	[smem:$0x3FAF] =	sst s2  }
0xb: {  	[smem:$0x3FB0] =	sst s3  }
0xc: {  	[smem:$0x3FB1] =	sst s4  }
0xd: {  	[smem:$0x3FB2] =	sst s5  }
0xe: {  	[smem:$0x3FB3] =	sst s6  }
0xf: {  	[smem:$0x3FB4] =	sst s7  }
0x10: {  	[smem:$0x3FB5] =	sst s8  }
0x11: {  	[smem:$0x3FB6] =	sst s9;
	s0 =	simm.s32 @!p0 $0x0  }
0x12: {  	s1 =	sld [smem:$0x3F9C];
	s0 =	simm.s32 @p0 $0x1  }
0x13: {  	[smem:$0x3FB7] =	sst s0;
	s0 =	simm.s32 @!p1 $0x0  }
0x14: {  	s2 =	sld [smem:$0x3F9B];
	s0 =	simm.s32 @p1 $0x1  }
0x15: {  	[smem:$0x3FB8] =	sst s0;
	s0 =	simm.s32 @!p2 $0x0  }
0x16: {  	s3 =	sld [smem:$0x3FDB];
	s0 =	simm.s32 @p2 $0x1  }
0x17: {  	s4 =	simm.s32 $0x1BF5;
	[smem:$0x3FBA] =	sst s0  }
0x18: {  	s0 =	sld [smem:$0x3F9D];
	_ =	swait.ge [sflag:s4], $0x0  }
0x19: {  	s7 =	sld [smem:$0x3F9E]  }
0x1a: {  	s8 =	sadd.s32 $0xFFFFE003, lr  }
0x1b: {  	s9 =	sadd.s32 $0xFFFFFEF7, lr;
	s5 =	simm.s32 $0xFFFFFFFF;
	p2 =	slt.u32 s8, $0xFFFFF086  }
0x1c: {  	p1 =	slt.u32 s9, $0xF7A;
	s5 =	simm.s32 @!p2 $0x0  }
0x1d: {  	s5 =	simm.s32 @p1 $0x1;
	p0 =	seq.s32 s7, s2  }
0x1e: {  	s7 =	smul.u32 @!p0 $0xF7A, s2;
	p2 =	seq.s32 @!p0 s5, $0x0  }
0x1f: {  	s9 =	smul.u32 $0xF7A, s1;
	s8 =	simm.s32 @!p0 $0x1BF5;
	p2 =	por !p2, p0  }
0x20: {  	[sflag:s8] =	ssyncset.s32 @!p0 $0xFFFFF086;
	s6 =	sadd.s32 @!p0 s3, s7;
	s7 =	simm.s32 @!p0 $0x108  }
0x21: {  	s3 =	sadd.s32 s3, s9;
	s6 =	sadd.s32 @!p0 $0x88, s6;
	s7 =	simm.s32 @p2 $0x1082  }
0x22: {  	[simem:s7], [sflag:s8] =	dma.local @!p0 [hbm:s6], $0xF7A  }
0x23: {  	s9 =	sor.u32 $0xD0000000, s2;
	s6 =	simm.s32 $0x108;
	_ =	swait.ge @!p0 [sflag:s8], $0x0  }
0x24: {  	s3 =	sadd.s32 $0x88, s3;
	s6 =	simm.s32 @!p1 $0x1082;
	[sflag:s4] =	ssyncset.s32 $0xFFFFF086  }
0x25: {  	[simem:s6], [sflag:s4] =	dma.local [hbm:s3], $0xF7A  }
0x26: {  	[smem:$0x3F9E] =	sst s1;
	(tag) =	ssettag s2;
	_ =	strace s9  }
0x27: {  	s1 =	sld [smem:$0x3FAE]  }
0x28: {  	s2 =	sld [smem:$0x3FAF]  }
0x29: {  	s4 =	sld [smem:$0x3FB1]  }
0x2a: {  	p0 =	seq.s32 s5, $0x0;
	s5 =	sld [smem:$0x3FB2]  }
0x2b: {  	s6 =	sld [smem:$0x3FB3]  }
0x2c: {  	s7 =	sld [smem:$0x3FB4]  }
0x2d: {  	s3 =	simm.s32 $0x108;
	s8 =	sld [smem:$0x3FB5]  }
0x2e: {  	s3 =	simm.s32 @!p0 $0x1082;
	s9 =	sld [smem:$0x3FB6]  }
0x2f: {  	lr =	sadd.s32 s0, s3;
	s0 =	sld [smem:$0x3FAD]  }
0x30: {  	s3 =	sld [smem:$0x3FB0]  }
0x31: {  	[smem:$0x3FB9] =	sst s10  }
0x32: {  	s10 =	sld [smem:$0x3FB7];
	_ =	sdelay $0x3  }
0x33: {  	p0 =	seq.s32 s10, $0x1;
	s10 =	sld [smem:$0x3FB9];
	_ =	sdelay $0x3  }
0x34: {  	[smem:$0x3FB9] =	sst s10  }
0x35: {  	s10 =	sld [smem:$0x3FB8];
	_ =	sdelay $0x3  }
0x36: {  	p1 =	seq.s32 s10, $0x1;
	s10 =	sld [smem:$0x3FB9];
	_ =	sdelay $0x3  }
0x37: {  	[smem:$0x3FB9] =	sst s10  }
0x38: {  	s10 =	sld [smem:$0x3FBA]  }
0x39: {  	_ = 	snop;
	(pc) =	sbr.ind lr, $3  }
0x3a: {  	_ = 	snop  }
0x3b: {  	_ = 	snop  }
0x3c: {  	p2 =	seq.s32 s10, $0x1;
	s10 =	sld [smem:$0x3FB9]  }
0x3d: {  	_ =	shalt  }
0x3e: {  	_ =	shalt  }
0x3f: {  	_ =	shalt  }
0x40: {  	_ =	shalt  }
0x41: {  	_ =	shalt  }
0x42: {  	_ =	shalt  }
0x43: {  	_ =	shalt  }
0x44: {  	_ =	shalt  }
0x45: {  	_ =	shalt  }
0x46: {  	_ =	shalt  }
0x47: {  	_ =	shalt  }
0x48: {  	_ =	shalt  }
0x49: {  	_ =	shalt  }
0x4a: {  	_ =	shalt  }
0x4b: {  	_ =	shalt  }
0x4c: {  	_ =	shalt  }
0x4d: {  	_ =	shalt  }
0x4e: {  	_ =	shalt  }
0x4f: {  	_ =	shalt  }
0x50: {  	_ =	shalt  }
0x51: {  	_ =	shalt  }
0x52: {  	_ =	shalt  }
0x53: {  	_ =	shalt  }
0x54: {  	_ =	shalt  }
0x55: {  	_ =	shalt  }
0x56: {  	_ =	shalt  }
0x57: {  	_ =	shalt  }
0x58: {  	_ =	shalt  }
0x59: {  	_ =	shalt  }
0x5a: {  	_ =	shalt  }
0x5b: {  	_ =	shalt  }
0x5c: {  	_ =	shalt  }
0x5d: {  	_ =	shalt  }
0x5e: {  	_ =	shalt  }
0x5f: {  	_ =	shalt  }
0x60: {  	_ =	shalt  }
0x61: {  	_ =	shalt  }
0x62: {  	_ =	shalt  }
0x63: {  	_ =	shalt  }
0x64: {  	_ =	shalt  }
0x65: {  	_ =	shalt  }
0x66: {  	_ =	shalt  }
0x67: {  	_ =	shalt  }
0x68: {  	_ =	shalt  }
0x69: {  	_ =	shalt  }
0x6a: {  	_ =	shalt  }
0x6b: {  	_ =	shalt  }
0x6c: {  	_ =	shalt  }
0x6d: {  	_ =	shalt  }
0x6e: {  	_ =	shalt  }
0x6f: {  	_ =	shalt  }
0x70: {  	_ =	shalt  }
0x71: {  	_ =	shalt  }
0x72: {  	_ =	shalt  }
0x73: {  	_ =	shalt  }
0x74: {  	_ =	shalt  }
0x75: {  	_ =	shalt  }
0x76: {  	_ =	shalt  }
0x77: {  	_ =	shalt  }
0x78: {  	_ =	shalt  }
0x79: {  	_ =	shalt  }
0x7a: {  	_ =	shalt  }
0x7b: {  	_ =	shalt  }
0x7c: {  	_ =	shalt  }
0x7d: {  	_ =	shalt  }
0x7e: {  	_ =	shalt  }
0x7f: {  	_ =	shalt  }
0x80: {  	_ =	shalt  }
0x81: {  	_ =	shalt  }
0x82: {  	_ =	shalt  }
0x83: {  	_ =	shalt  }
0x84: {  	_ =	shalt  }
0x85: {  	_ =	shalt  }
0x86: {  	_ =	shalt  }
0x87: {  	_ =	shalt  }
.Lfunc_end0:
.L_simem_size_0:
called_computation_lowered:
.L_overlay_start_0:
0x88: {  	s2 =	sld [smem:$0x3FD9]  }
0x89: {  	s3 =	sld [smem:$0x3FFE];
	_ =	sdelay $0x1  }
0x8a: {  	s1 =	srdreg.scid  }
0x8b: {  	s0 =	sand.u32 $0x1, s1  }
0x8c: {  	s17 =	sshll.u32 s0, $0xA;
	s2 =	sadd.s32 s3, s2  }
0x8d: {  	s2 =	sadd.s32 s2, s17  }
0x8e: {  	[smem:$0x3FC5] =	sst s2  }
0x8f: {  	_ = 	snop  }
0x90: {  	s2 =	sld [smem:$0x3FD0];
	(tm) =	ssettm $0x1  }
0x91: {  	s18 =	sld [smem:$0x3FFB];
	_ =	sdelay $0x3  }
0x92: {  	_ =	strace s18  }
0x93: {  	s3 =	sld [smem:$0x3FFC];
	_ =	sdelay $0x3  }
0x94: {  	_ =	strace s3  }
0x95: {  	s3 =	sld [smem:$0x3FFD];
	_ =	sdelay $0x3  }
0x96: {  	_ =	strace s3  }
0x97: {  	_ =	strace $0x8FFFFFFF  }
0x98: {  	s19 =	sld [smem:$0x3FDB];
	_ =	sdelay $0x1  }
0x99: {  	s4 =	simm.s32 $_scs_section_size  }
0x9a: {  	s5 =	simm.s32 $_size__tile_overlayer_lowered;
	s6 =	simm.s32 $_tile_overlayer_lowered  }
0x9b: {  	s22 =	simm.s32 $0x1BFF;
	s21 =	sshll.u32 s6, $0x1;
	s3 =	sadd.s32 s4, s19  }
0x9c: {  	s7 =	simm.s32 $0x0;
	s20 =	sshll.u32 s5, $0x1;
	s5 =	sadd.s32 s21, s3  }
0x9d: {  	[timem:s7], [sflag:s22] =	dma.local [hbm:s5], s20  }
0x9e: {  	_ =	swait.ge [sflag:s22], s20  }
0x9f: {  	s4 =	ssub.s32 $0x0, s20;
	[sflag:s22] =	ssyncset.done $0x0  }
0xa0: {  	[sflag:s22] =	ssyncadd.s32 s4;
	_ =	sdelay $0x1  }
0xa1: {  	s23 =	simm.s32 $0x1B8B  }
0xa2: {  	_ =	swait.ge [sflag:s23], $0x1  }
0xa3: {  	[sflag:s23] =	ssyncset.done $0x0  }
0xa4: {  	s25 =	simm.s32 $0x1B8E;
	s24 =	sld [smem:$0x3FFE];
	[sflag:s23] =	ssyncadd.s32 $0xFFFFFFFF  }
0xa5: {  	s26 =	simm.s32 $execute0_lowered;
	[smem:$0x3FD2] =	sst s25  }
0xa6: {  	s5 =	sshll.u32 s26, $0x1;
	_ =	strace $0x80000046;
	[dreg:$0x1] =	wrdreg $0xFFFFFFFF  }
0xa7: {  	s28 =	simm.s32 $_size_execute0_lowered;
	s3 =	sadd.s32 s3, s5;
	[dreg:$0x0] =	wrdreg $0x0  }
0xa8: {  	s5 =	sshll.u32 s28, $0x1;
	[dreg:$0x2] =	wrdreg s3  }
0xa9: {  	[dreg:$0x3] =	wrdreg s5  }
0xaa: {  	[dreg:$0x4] =	wrdreg $0xC0  }
0xab: {  	_ =	task [dreg:s7], $0x5FFFF  }
0xac: {  	[dreg:$0x1] =	wrdreg $0xFFFFFFFF  }
0xad: {  	[dreg:$0x0] =	wrdreg $0x60  }
0xae: {  	[dreg:$0x2] =	wrdreg s2  }
0xaf: {  	[dreg:$0x3] =	wrdreg s24  }
0xb0: {  	[dreg:$0x4] =	wrdreg $0x9  }
0xb1: {  	_ =	task.clear_ibuf [dreg:s7], $0x5FFFF;
	_ =	strace $0x90000046  }
0xb2: {  	s29 =	simm.s32 $0x9;
	_ =	strace $0x80000048  }
0xb3: {  	_ =	swait.ge [sflag:s29], $0x1  }
0xb4: {  	[sflag:s29] =	ssyncadd.s32 $0xFFFFFFFF  }
0xb5: {  	_ =	strace $0x90000048  }
0xb6: {  	_ =	sfence  }
0xb7: {  	s30 =	sld [smem:$0x0];
	_ =	sdelay $0x2  }
0xb8: {  	s31 =	sshll.u32 s1, $0xD;
	s1 =	sshrl.u32 s1, $0x2  }
0xb9: {  	s3 =	sand.u32 $0x4000, s31;
	s1 =	sadd.s32 s1, s30  }
0xba: {  	s0 =	sor.u32 s3, s0;
	s1 =	sshll.u32 s1, $0x11  }
0xbb: {  	s0 =	sor.u32 s1, s0  }
0xbc: {  	s0 =	sadd.s32 $0x8F2B, s0  }
0xbd: {  	[sflag:s0] =	ssyncadd.remote.s32 $0x1  }
0xbe: {  	_ =	sfence.sel $0xFFFF  }
0xbf: {  	[dreg:$0x0] =	wrdreg $0xFFFFFFFF;
	(pc) =	sbr.abs _section_cstart, $3  }
0xc0: {  	[dreg:$0x1] =	wrdreg $0xFFFFFFFF  }
0xc1: {  	_ =	task.clear_ibuf [dreg:s7], $0x2FFFF;
	_ =	strace $0x9FFFFFFF  }
0xc2: {  	(tm) =	ssettm $0x7FFFFFFF  }
0xc3: {  	_ =	shalt  }
tec
execute0_lowered:
.L_overlay_start_1:
0x0: {  	(tag) =	ssettag $0x1  }
0x1: {  	s6 =	rddreg [dreg:$0x0]  }
0x2: {  	s7 =	rddreg [dreg:$0x1]  }
0x3: {  	s0 =	rddreg [dreg:$0x2]  }
0x4: {  	s2 =	simm.s32 $0x0;
	s3 =	srdreg.scid;
	s1 =	stileid.u32  }
0x5: {  	s12 =	simm.s32 $0x80;
	s13 =	simm.s32 $0x1;
	s14 =	simm.s32 $0x2  }
0x6: {  	s15 =	simm.s32 $0x3;
	s16 =	simm.s32 $0x1000;
	s17 =	simm.s32 $0x2000  }
0x7: {  	s18 =	simm.s32 $0x3000;
	s19 =	simm.s32 $0x0;
	[smem:$0x7FF] =	sst s2  }
0x8: {  	s5 =	sand.u32 $0x1, s3;
	s3 =	sadd.s32 $0x4E600, s7;
	s8 =	sshll.u32 s1, $0xA  }
0x9: {  	s4 =	sadd.s32 $0x2000, s7;
	s9 =	sshll.u32 s5, $0x9;
	s30 =	ssub.s32 $0x2, s5  }
0xa: {  	_ =	strace $0x80000047;
	s8 =	sor.u32 s9, s8;
	s31 =	sshrl.u32 s30, $0x1  }
0xb: {  	s5 =	sadd.s32 $0x9AC00, s7;
	s10 =	sadd.s32 s8, s7;
	s11 =	ssub.s32 s30, s31  }
0xc: {  	s6 =	sadd.s32 s6, s8;
	s7 =	sadd.s32 $0xE7200, s10;
	s8 =	sadd.s32 $0xEB200, s10  }
0xd: {  	s9 =	sadd.s32 $0xEF200, s10;
	s10 =	smax.u32 s11, $0x1;
	s11 =	simm.s32 $0x4  }
.LBB2_1:
0xe: {  	[tilespmem:s2], [sflag:$0x4] =	stream.linear.gather [hbm4b:s6+s2], $0x1000, $0x38;
	[tilespmem:$0x4000] =	vst v63  }
0xf: {  	_ =	swait.ge [sflag:s11], $0x1000  }
0x10: {  	[sflag:s11] =	ssyncset.done $0x0  }
0x11: {  	s21 =	simm.s32 $0x0;
	s20 =	simm.s32 $0x1000;
	[sflag:s11] =	ssyncadd.s32 $0xFFFFF000  }
0x12: {  	[tilespmem:s20], [sflag:$0x1] =	stream.indirect.gather [hbm4b:s3+s12], $0x1, s21, s12, $0xb8;
	[tilespmem:$0x4000] =	vst v63  }
0x13: {  	s31 =	simm.s32 $0x2000;
	s20 =	simm.s32 $0x200  }
0x14: {  	[tilespmem:s31], [sflag:$0x2] =	stream.indirect.gather [hbm4b:s4+s12], $0x1, s21, s12, $0xb8;
	[tilespmem:$0x4000] =	vst v63  }
.LBB2_2:
0x15: {  	s22 =	sshra.s32 s20, $0x2;
	s23 =	sadd.s32 $0x3000, s21;
	p0 =	sne.s32 s20, $0x3E00  }
0x16: {  	[tilespmem:s23], [sflag:$0x3] =	stream.indirect.gather [hbm4b:s5+s12], $0x1, s21, s12, $0xb8;
	[tilespmem:$0x4000] =	vst v63  }
.Ltmp0:
0x17: {  	_ = 	snop;
	(pc) =	sbr.rel @p0 .LBB2_2-.Ltmp0, $4  }
0x18: {  	s20 =	sadd.s32 $0x200, s20;
	s21 =	sadd.s32 $0x1000, s22  }
0x19: {  	[tilespmem:s21], [sflag:$0x1] =	stream.indirect.gather [hbm4b:s3+s12], $0x1, s22, s12, $0xb8;
	[tilespmem:$0x4000] =	vst v63  }
0x1a: {  	s23 =	sadd.s32 $0x2000, s22;
	s21 =	smov.u32 s22  }
0x1b: {  	[tilespmem:s23], [sflag:$0x2] =	stream.indirect.gather [hbm4b:s4+s12], $0x1, s21, s12, $0xb8;
	[tilespmem:$0x4000] =	vst v63  }
0x1c: {  	s20 =	sadd.s32 $0x3000, s21  }
0x1d: {  	[tilespmem:s20], [sflag:$0x3] =	stream.indirect.gather [hbm4b:s5+s12], $0x1, s21, s12, $0xb8;
	[tilespmem:$0x4000] =	vst v63  }
0x1e: {  	_ =	swait.ge [sflag:s13], $0x1000  }
0x1f: {  	[sflag:s13] =	ssyncset.done $0x0  }
0x20: {  	[sflag:s13] =	ssyncadd.s32 $0xFFFFF000  }
0x21: {  	_ =	swait.ge [sflag:s14], $0x1000  }
0x22: {  	[sflag:s14] =	ssyncset.done $0x0  }
0x23: {  	[sflag:s14] =	ssyncadd.s32 $0xFFFFF000  }
0x24: {  	_ =	swait.ge [sflag:s15], $0x1000  }
0x25: {  	[sflag:s15] =	ssyncset.done $0x0  }
0x26: {  	[sflag:s15] =	ssyncadd.s32 $0xFFFFF000  }
0x27: {  	[hbm4b:s7+s2] =	stream.linear.scatter [tilespmem:s16], [sflag:$0x4], $0x1000, $0x38;
	[tilespmem:$0x4000] =	vst v63  }
0x28: {  	_ =	swait.ge [sflag:s11], $0x1000  }
0x29: {  	[sflag:s11] =	ssyncset.done $0x0  }
0x2a: {  	[sflag:s11] =	ssyncadd.s32 $0xFFFFF000  }
0x2b: {  	[hbm4b:s8+s2] =	stream.linear.scatter [tilespmem:s17], [sflag:$0x4], $0x1000, $0x38;
	[tilespmem:$0x4000] =	vst v63  }
0x2c: {  	s19 =	sadd.s32 $0x1, s19;
	_ =	swait.ge [sflag:s11], $0x1000  }
0x2d: {  	p0 =	sne.s32 s19, s10;
	[sflag:s11] =	ssyncset.done $0x0  }
.Ltmp1:
0x2e: {  	[sflag:s11] =	ssyncadd.s32 $0xFFFFF000;
	(pc) =	sbr.rel @p0 .LBB2_1-.Ltmp1, $4  }
0x2f: {  	[hbm4b:s9+s2] =	stream.linear.scatter [tilespmem:s18], [sflag:$0x4], $0x1000, $0x38;
	[tilespmem:$0x4000] =	vst v63  }
0x30: {  	_ =	swait.ge [sflag:s11], $0x1000  }
0x31: {  	[sflag:s11] =	ssyncset.done $0x0  }
0x32: {  	[sflag:s11] =	ssyncadd.s32 $0xFFFFF000  }
0x33: {  	_ =	sfence.sel $0x180000  }
0x34: {  	[bflag:$0x0] =	sbarrier.arrive $0xFFFF  }
0x35: {  	p0 =	sne.s32 s1, $0x0;
	_ =	strace $0x90000047  }
0x36: {  	s0 =	sadd.s32 @!p0 $0x100000, s0;
	[bflag:$0x2] =	sbarrier.arrive $0xFFFF  }
0x37: {  	[sflag:s0] =	ssyncadd.tile.s32 @!p0 $0x1;
	_ =	shalt  }
.Lfunc_end2:
_tile_overlayer_lowered:
.L_overlay_start_2:
0x38: {  	(tag) =	ssettag $0x2  }
0x39: {  	s0 =	rddreg [dreg:$0x0];
	s2 =	stileid.u32  }
0x3a: {  	s1 =	rddreg [dreg:$0x1];
	p0 =	sne.s32 s2, $0x0  }
0x3b: {  	s3 =	rddreg [dreg:$0x2];
	[bflag:$0x3] =	sbarrier.arrive $0xFFFF;
	s2 =	simm.s32 @!p0 $0x1C04  }
0x3c: {  	[timem:s3], [sflag:s2] =	dma.local @!p0 [hbm:s0], s1  }
0x3d: {  	s0 =	simm.s32 @!p0 $0x4  }
0x3e: {  	_ =	swait.ge @!p0 [sflag:s0], s1  }
0x3f: {  	s1 =	ssub.s32 @!p0 $0x0, s1;
	[sflag:s0] =	ssyncset.done @!p0 $0x0  }
0x40: {  	[sflag:s0] =	ssyncadd.s32 @!p0 s1  }
0x41: {  	[bflag:$0x3] =	sbarrier.arrive $0xFFFF  }
0x42: {  	_ =	shalt  }

</sc_bundles>
